<compile_context>
chip_gen: v7x
topology: tpu7x:2x2x1
jax: 0.10.2.dev20260603
libtpu: 0.0.44.dev20260713+nightly
codegen_flags: <defaults>
</compile_context>

<pallas_src>
import functools

import jax
import jax.numpy as jnp
from jax import lax
from jax.experimental import pallas as pl
from jax.experimental.pallas import tpu as pltpu
from jax.experimental.pallas import tpu_sc as plsc

NC = 2
NS = 16
NW = NC * NS
L = 16

ROWS, COLS = 16384, 200
D = 4
N_TOTAL = ROWS * COLS
NJT = COLS // 8
NIT = ROWS // 128
IT_PER_W = NIT // NW
XBLK = IT_PER_W * 8 * 128
OVBLK = 8 * IT_PER_W * D * 128


def _take16(src, idx):
  return jnp.take_along_axis(src, idx, axis=0, mode="promise_in_bounds")


def _emb_body(x_hbm, tab_hbm, out_hbm, xv, ov, tab_v, sem_in, sem_out):
  wid = lax.axis_index("s") * NC + lax.axis_index("c")
  it0 = wid * IT_PER_W

  pltpu.sync_copy(tab_hbm, tab_v)
  lane = jnp.minimum(lax.iota(jnp.int32, L), 9)
  tbl = [plsc.load_gather(tab_v, (lane + 10 * k,)) for k in range(D)]

  def issue_in(jt, b):
    pltpu.async_copy(
        x_hbm.at[pl.ds((jt * NIT + it0) * 1024, XBLK)], xv.at[b], sem_in
    )

  def wait_in(b):
    pltpu.make_async_copy(
        x_hbm.at[pl.ds(0, XBLK)], xv.at[b], sem_in
    ).wait()

  def drain_out(b):
    pltpu.make_async_copy(
        ov.at[b], out_hbm.at[pl.ds(0, OVBLK)], sem_out.at[b]
    ).wait()

  issue_in(0, 0)

  def jt_body(jt, carry):
    b = jt & 1
    wait_in(b)

    @pl.when(jt < NJT - 1)
    def _():
      issue_in(jt + 1, 1 - b)

    @pl.when(jt >= 2)
    def _():
      drain_out(b)

    @plsc.parallel_loop(0, XBLK // 128, 1, unroll=4)
    def _blk(n):
      dit = n >> 3
      s = n & 7
      base = (s * (IT_PER_W * D) + dit * D) * 128
      for l0 in range(8):
        vidx = xv[b, pl.ds(n * 128 + l0 * L, L)]
        for k in range(D):
          ov[b, pl.ds(base + k * 128 + l0 * L, L)] = _take16(tbl[k], vidx)

    for s in range(8):
      dst0 = ((jt * 8 + s) * 128 + it0) * 512
      pltpu.async_copy(
          ov.at[b, pl.ds(s * 2048, 2048)],
          out_hbm.at[pl.ds(dst0, 2048)],
          sem_out.at[b],
      )
    return carry

  lax.fori_loop(0, NJT, jt_body, 0)
  drain_out(1)
  drain_out(0)


@jax.jit
def _emb_call(x_flat, tab_t):
  mesh = plsc.VectorSubcoreMesh(core_axis_name="c", subcore_axis_name="s")
  f = pl.kernel(
      _emb_body,
      out_type=jax.ShapeDtypeStruct((N_TOTAL * D,), jnp.float32),
      mesh=mesh,
      scratch_types=[
          pltpu.VMEM((2, XBLK), jnp.int32),
          pltpu.VMEM((2, OVBLK), jnp.float32),
          pltpu.VMEM((D * 10,), jnp.float32),
          pltpu.SemaphoreType.DMA,
          pltpu.SemaphoreType.DMA((2,)),
      ],
      compiler_params=pltpu.CompilerParams(needs_layout_passes=False),
  )
  return f(x_flat, tab_t)


def kernel(x, table):
  x_q = (
      x.T.reshape(NJT, 8, NIT, 128)
      .transpose(0, 2, 1, 3)
      .reshape(-1)
  )
  out_q = _emb_call(x_q, table.T.reshape(-1))
  return (
      out_q.reshape(COLS, NIT, D, 128)
      .transpose(1, 3, 0, 2)
      .reshape(ROWS, COLS, D)
  )

# --- scband reference (transcript-rebuilt; emitter-appended) ---
"""Pipeline reference for scband-embedding-model-88012469830017 (READ-ONLY COPY).

The authoritative reference and input builder live on the scoring server;
editing this copy changes nothing except your own understanding.
"""

import jax, jax.numpy as jnp
import numpy as np

NUM_EMBEDDINGS = 10
EMBED_DIM = 4

def setup_inputs(seed: int = 0) -> dict:
    key = jax.random.key(seed)
    k_idx, k_tab = jax.random.split(key)
    x = jax.random.randint(k_idx, (16384, 200), 0, NUM_EMBEDDINGS, dtype=jnp.int64 if jax.config.jax_enable_x64 else jnp.int32)
    table = jax.random.normal(k_tab, (NUM_EMBEDDINGS, EMBED_DIM), dtype=jnp.float32)
    return {"x": x, "table": table}

def reference(x, table):
    # Faithful translation of nn.Embedding: gather rows of the table by index.
    return jnp.take(table, x, axis=0)

if __name__ == "__main__":
    import jax
    _d = setup_inputs()
    print(jax.jit(kernel)(*tuple(_d.values())))

</pallas_src>

<mosaic_0001>
#map = affine_map<(d0, d1) -> (0)>
module attributes {stable_mosaic.version = 14 : i64} {
  func.func @_emb_body(%arg0: i32, %arg1: i32, %arg2: memref<3276800xi32, #tpu.memory_space<hbm>>, %arg3: memref<40xf32, #tpu.memory_space<hbm>>, %arg4: memref<13107200xf32, #tpu.memory_space<hbm>>, %arg5: memref<2x4096xi32, #tpu.memory_space<vmem>>, %arg6: memref<2x16384xf32, #tpu.memory_space<vmem>>, %arg7: memref<40xf32, #tpu.memory_space<vmem>>, %arg8: memref<!tpu.dma_semaphore, #tpu.memory_space<semaphore_mem>>, %arg9: memref<2x!tpu.dma_semaphore, #tpu.memory_space<semaphore_mem>>) attributes {dimension_semantics = [#tpu.dimension_semantics<core_parallel>, #tpu.dimension_semantics<subcore_parallel>], iteration_bounds = array<i64: 2, 16>, scalar_prefetch = 0 : i64, scratch_operands = 5 : i64, tpu.core_type = #tpu.core_type<sc_vector_subcore>, window_params = [{transform_indices = #map}, {transform_indices = #map}, {transform_indices = #map}]} {
    %mul3A = arith.constant 2 : i32
    %mul3A_0 = arith.muli %arg1, %mul3A : i32
    %add3A = arith.addi %mul3A_0, %arg0 : i32
    %mul3A_1 = arith.constant 4 : i32
    %mul3A_2 = arith.muli %add3A, %mul3A_1 : i32
    "tpu.region"() ({
      %run_scoped3A = tpu.sem_alloc : memref<!tpu.dma_semaphore, #tpu.memory_space<semaphore_mem>>
      tpu.enqueue_dma source(%arg3 : memref<40xf32, #tpu.memory_space<hbm>>) target(%arg7 : memref<40xf32, #tpu.memory_space<vmem>>) target_semaphore(%run_scoped3A : memref<!tpu.dma_semaphore, #tpu.memory_space<semaphore_mem>>)
      tpu.wait_dma2 semaphore(%run_scoped3A : memref<!tpu.dma_semaphore, #tpu.memory_space<semaphore_mem>>) src(%arg3 : memref<40xf32, #tpu.memory_space<hbm>>) dst(%arg7 : memref<40xf32, #tpu.memory_space<vmem>>)
      tpu.yield
    }) : () -> ()
    %iota3A = tpu.iota {dimensions = array<i32: 0>} : vector<16xi32>
    %min3A = arith.constant 9 : i32
    %min3A_3 = vector.broadcast %min3A : i32 to vector<16xi32>
    %min3A_4 = arith.minsi %iota3A, %min3A_3 : vector<16xi32>
    %add3A_5 = arith.constant 0 : i32
    %add3A_6 = vector.broadcast %add3A_5 : i32 to vector<16xi32>
    %add3A_7 = arith.addi %min3A_4, %add3A_6 : vector<16xi32>
    %gather3A = tpu.vector_load_idx %arg7[%add3A_7] : memref<40xf32, #tpu.memory_space<vmem>>[vector<16xi32>], vector<16xf32>,
    %add3A_8 = arith.constant 10 : i32
    %add3A_9 = vector.broadcast %add3A_8 : i32 to vector<16xi32>
    %add3A_10 = arith.addi %min3A_4, %add3A_9 : vector<16xi32>
    %gather3A_11 = tpu.vector_load_idx %arg7[%add3A_10] : memref<40xf32, #tpu.memory_space<vmem>>[vector<16xi32>], vector<16xf32>,
    %add3A_12 = arith.constant 20 : i32
    %add3A_13 = vector.broadcast %add3A_12 : i32 to vector<16xi32>
    %add3A_14 = arith.addi %min3A_4, %add3A_13 : vector<16xi32>
    %gather3A_15 = tpu.vector_load_idx %arg7[%add3A_14] : memref<40xf32, #tpu.memory_space<vmem>>[vector<16xi32>], vector<16xf32>,
    %add3A_16 = arith.constant 30 : i32
    %add3A_17 = vector.broadcast %add3A_16 : i32 to vector<16xi32>
    %add3A_18 = arith.addi %min3A_4, %add3A_17 : vector<16xi32>
    %gather3A_19 = tpu.vector_load_idx %arg7[%add3A_18] : memref<40xf32, #tpu.memory_space<vmem>>[vector<16xi32>], vector<16xf32>,
    %add3A_20 = arith.constant 0 : i32
    %add3A_21 = arith.addi %add3A_20, %mul3A_2 : i32
    %mul3A_22 = arith.constant 1024 : i32
    %mul3A_23 = arith.muli %add3A_21, %mul3A_22 : i32
    %dma_start3A = arith.constant 0 : i32
    %dma_start3A_24 = arith.constant 0 : i32
    %dma_start3A_25 = tpu.memref_slice %arg5[%dma_start3A, %dma_start3A_24] : memref<2x4096xi32, #tpu.memory_space<vmem>> -> memref<1x4096xi32, #tpu.memory_space<vmem>>
    %dma_start3A_26 = tpu.memref_squeeze %dma_start3A_25 : memref<1x4096xi32, #tpu.memory_space<vmem>> -> memref<4096xi32, #tpu.memory_space<vmem>>
    %dma_start3A_27 = tpu.memref_slice %arg2[%mul3A_23] : memref<3276800xi32, #tpu.memory_space<hbm>> -> memref<4096xi32, #tpu.memory_space<hbm>>
    %dma_start3A_28 = arith.constant 0 : i32
    %dma_start3A_29 = tpu.memref_slice %arg5[%dma_start3A, %dma_start3A_28] : memref<2x4096xi32, #tpu.memory_space<vmem>> -> memref<1x4096xi32, #tpu.memory_space<vmem>>
    %dma_start3A_30 = tpu.memref_squeeze %dma_start3A_29 : memref<1x4096xi32, #tpu.memory_space<vmem>> -> memref<4096xi32, #tpu.memory_space<vmem>>
    %dma_start3A_31 = tpu.memref_slice %arg2[%mul3A_23] : memref<3276800xi32, #tpu.memory_space<hbm>> -> memref<4096xi32, #tpu.memory_space<hbm>>
    tpu.enqueue_dma source(%dma_start3A_31 : memref<4096xi32, #tpu.memory_space<hbm>>) target(%dma_start3A_30 : memref<4096xi32, #tpu.memory_space<vmem>>) target_semaphore(%arg8 : memref<!tpu.dma_semaphore, #tpu.memory_space<semaphore_mem>>)
    %scan3A = arith.constant 0 : i32
    %scan3A_32 = arith.constant 0 : i32
    %scan3A_33 = arith.constant 25 : i32
    %scan3A_34 = arith.addi %scan3A_32, %scan3A_33 : i32
    %scan3A_35 = arith.constant 1 : i32
    scf.for %scan3A_64 = %scan3A_32 to %scan3A_34 step %scan3A_35  : i32 {
      %and3A = arith.constant 1 : i32
      %and3A_65 = arith.andi %scan3A_64, %and3A : i32
      %dma_wait3A_66 = arith.constant 0 : i32
      %dma_wait3A_67 = tpu.memref_slice %arg5[%and3A_65, %dma_wait3A_66] : memref<2x4096xi32, #tpu.memory_space<vmem>> -> memref<1x4096xi32, #tpu.memory_space<vmem>>
      %dma_wait3A_68 = tpu.memref_squeeze %dma_wait3A_67 : memref<1x4096xi32, #tpu.memory_space<vmem>> -> memref<4096xi32, #tpu.memory_space<vmem>>
      %dma_wait3A_69 = arith.constant 0 : i32
      %dma_wait3A_70 = tpu.memref_slice %arg2[%dma_wait3A_69] : memref<3276800xi32, #tpu.memory_space<hbm>> -> memref<4096xi32, #tpu.memory_space<hbm>>
      %dma_wait3A_71 = arith.constant 0 : i32
      %dma_wait3A_72 = tpu.memref_slice %arg5[%and3A_65, %dma_wait3A_71] : memref<2x4096xi32, #tpu.memory_space<vmem>> -> memref<1x4096xi32, #tpu.memory_space<vmem>>
      %dma_wait3A_73 = tpu.memref_squeeze %dma_wait3A_72 : memref<1x4096xi32, #tpu.memory_space<vmem>> -> memref<4096xi32, #tpu.memory_space<vmem>>
      %dma_wait3A_74 = arith.constant 0 : i32
      %dma_wait3A_75 = tpu.memref_slice %arg2[%dma_wait3A_74] : memref<3276800xi32, #tpu.memory_space<hbm>> -> memref<4096xi32, #tpu.memory_space<hbm>>
      tpu.wait_dma2 semaphore(%arg8 : memref<!tpu.dma_semaphore, #tpu.memory_space<semaphore_mem>>) src(%dma_wait3A_75 : memref<4096xi32, #tpu.memory_space<hbm>>) dst(%dma_wait3A_73 : memref<4096xi32, #tpu.memory_space<vmem>>)
      %lt3A = arith.constant 24 : i32
      %lt3A_76 = arith.cmpi slt, %scan3A_64, %lt3A : i32
      %convert_element_type3A = arith.extui %lt3A_76 : i1 to i32
      %cond3A = arith.constant 0 : i32
      %cond3A_77 = arith.cmpi ne, %convert_element_type3A, %cond3A : i32
      scf.if %cond3A_77 {
        %add3A_236 = arith.constant 1 : i32
        %add3A_237 = arith.addi %scan3A_64, %add3A_236 : i32
        %sub3A = arith.constant 1 : i32
        %sub3A_238 = arith.subi %sub3A, %and3A_65 : i32
        %mul3A_239 = arith.constant 128 : i32
        %mul3A_240 = arith.muli %add3A_237, %mul3A_239 : i32
        %add3A_241 = arith.addi %mul3A_240, %mul3A_2 : i32
        %mul3A_242 = arith.constant 1024 : i32
        %mul3A_243 = arith.muli %add3A_241, %mul3A_242 : i32
        %dma_start3A_244 = arith.constant 0 : i32
        %dma_start3A_245 = tpu.memref_slice %arg5[%sub3A_238, %dma_start3A_244] : memref<2x4096xi32, #tpu.memory_space<vmem>> -> memref<1x4096xi32, #tpu.memory_space<vmem>>
        %dma_start3A_246 = tpu.memref_squeeze %dma_start3A_245 : memref<1x4096xi32, #tpu.memory_space<vmem>> -> memref<4096xi32, #tpu.memory_space<vmem>>
        %dma_start3A_247 = tpu.memref_slice %arg2[%mul3A_243] : memref<3276800xi32, #tpu.memory_space<hbm>> -> memref<4096xi32, #tpu.memory_space<hbm>>
        %dma_start3A_248 = arith.constant 0 : i32
        %dma_start3A_249 = tpu.memref_slice %arg5[%sub3A_238, %dma_start3A_248] : memref<2x4096xi32, #tpu.memory_space<vmem>> -> memref<1x4096xi32, #tpu.memory_space<vmem>>
        %dma_start3A_250 = tpu.memref_squeeze %dma_start3A_249 : memref<1x4096xi32, #tpu.memory_space<vmem>> -> memref<4096xi32, #tpu.memory_space<vmem>>
        %dma_start3A_251 = tpu.memref_slice %arg2[%mul3A_243] : memref<3276800xi32, #tpu.memory_space<hbm>> -> memref<4096xi32, #tpu.memory_space<hbm>>
        tpu.enqueue_dma source(%dma_start3A_251 : memref<4096xi32, #tpu.memory_space<hbm>>) target(%dma_start3A_250 : memref<4096xi32, #tpu.memory_space<vmem>>) target_semaphore(%arg8 : memref<!tpu.dma_semaphore, #tpu.memory_space<semaphore_mem>>)
      } else {
      }
      %ge3A = arith.constant 2 : i32
      %ge3A_78 = arith.cmpi sge, %scan3A_64, %ge3A : i32
      %convert_element_type3A_79 = arith.extui %ge3A_78 : i1 to i32
      %cond3A_80 = arith.constant 0 : i32
      %cond3A_81 = arith.cmpi ne, %convert_element_type3A_79, %cond3A_80 : i32
      scf.if %cond3A_81 {
        %dma_wait3A_236 = arith.constant 0 : i32
        %dma_wait3A_237 = tpu.memref_slice %arg6[%and3A_65, %dma_wait3A_236] : memref<2x16384xf32, #tpu.memory_space<vmem>> -> memref<1x16384xf32, #tpu.memory_space<vmem>>
        %dma_wait3A_238 = tpu.memref_squeeze %dma_wait3A_237 : memref<1x16384xf32, #tpu.memory_space<vmem>> -> memref<16384xf32, #tpu.memory_space<vmem>>
        %dma_wait3A_239 = arith.constant 0 : i32
        %dma_wait3A_240 = tpu.memref_slice %arg4[%dma_wait3A_239] : memref<13107200xf32, #tpu.memory_space<hbm>> -> memref<16384xf32, #tpu.memory_space<hbm>>
        %dma_wait3A_241 = tpu.memref_slice %arg9[%and3A_65] : memref<2x!tpu.dma_semaphore, #tpu.memory_space<semaphore_mem>> -> memref<1x!tpu.dma_semaphore, #tpu.memory_space<semaphore_mem>>
        %dma_wait3A_242 = tpu.memref_squeeze %dma_wait3A_241 : memref<1x!tpu.dma_semaphore, #tpu.memory_space<semaphore_mem>> -> memref<!tpu.dma_semaphore, #tpu.memory_space<semaphore_mem>>
        %dma_wait3A_243 = arith.constant 0 : i32
        %dma_wait3A_244 = tpu.memref_slice %arg4[%dma_wait3A_243] : memref<13107200xf32, #tpu.memory_space<hbm>> -> memref<16384xf32, #tpu.memory_space<hbm>>
        %dma_wait3A_245 = arith.constant 0 : i32
        %dma_wait3A_246 = tpu.memref_slice %arg6[%and3A_65, %dma_wait3A_245] : memref<2x16384xf32, #tpu.memory_space<vmem>> -> memref<1x16384xf32, #tpu.memory_space<vmem>>
        %dma_wait3A_247 = tpu.memref_squeeze %dma_wait3A_246 : memref<1x16384xf32, #tpu.memory_space<vmem>> -> memref<16384xf32, #tpu.memory_space<vmem>>
        tpu.wait_dma2 semaphore(%dma_wait3A_242 : memref<!tpu.dma_semaphore, #tpu.memory_space<semaphore_mem>>) src(%dma_wait3A_247 : memref<16384xf32, #tpu.memory_space<vmem>>) dst(%dma_wait3A_244 : memref<16384xf32, #tpu.memory_space<hbm>>)
      } else {
      }
      %parallel_loop3A = arith.constant 0 : i32
      %parallel_loop3A_82 = arith.constant 32 : i32
      %parallel_loop3A_83 = arith.constant 1 : i32
      scf.for %parallel_loop3A_236 = %parallel_loop3A to %parallel_loop3A_82 step %parallel_loop3A_83  : i32 {
        %parallel_loop3A_237 = arith.constant 3 : i32
        %parallel_loop3A_238 = arith.shrsi %parallel_loop3A_236, %parallel_loop3A_237 : i32
        %parallel_loop3A_239 = arith.constant 7 : i32
        %parallel_loop3A_240 = arith.andi %parallel_loop3A_236, %parallel_loop3A_239 : i32
        %parallel_loop3A_241 = arith.constant 16 : i32
        %parallel_loop3A_242 = arith.muli %parallel_loop3A_240, %parallel_loop3A_241 : i32
        %parallel_loop3A_243 = arith.constant 4 : i32
        %parallel_loop3A_244 = arith.muli %parallel_loop3A_238, %parallel_loop3A_243 : i32
        %parallel_loop3A_245 = arith.addi %parallel_loop3A_242, %parallel_loop3A_244 : i32
        %parallel_loop3A_246 = arith.constant 128 : i32
        %parallel_loop3A_247 = arith.muli %parallel_loop3A_245, %parallel_loop3A_246 : i32
        %parallel_loop3A_248 = arith.constant 128 : i32
        %parallel_loop3A_249 = arith.muli %parallel_loop3A_236, %parallel_loop3A_248 : i32
        %parallel_loop3A_250 = arith.constant 0 : i32
        %parallel_loop3A_251 = arith.addi %parallel_loop3A_249, %parallel_loop3A_250 : i32
        %parallel_loop3A_252 = arith.index_cast %and3A_65 : i32 to index
        %parallel_loop3A_253 = arith.index_cast %parallel_loop3A_251 : i32 to index
        %parallel_loop3A_254 = tpu.vector_load %arg5[%parallel_loop3A_252, %parallel_loop3A_253] {strides = array<i32>} : memref<2x4096xi32, #tpu.memory_space<vmem>>, vector<16xi32>,
        %parallel_loop3A_255 = vector.shape_cast %parallel_loop3A_254 : vector<16xi32> to vector<16x1xi32>
        %parallel_loop3A_256 = vector.shape_cast %parallel_loop3A_255 : vector<16x1xi32> to vector<16xi32>
        %parallel_loop3A_257 = tpu.dynamic_gather %gather3A[%parallel_loop3A_256] in [0] : vector<16xf32>, vector<16xi32> -> vector<16xf32>
        %parallel_loop3A_258 = arith.constant 0 : i32
        %parallel_loop3A_259 = arith.addi %parallel_loop3A_247, %parallel_loop3A_258 : i32
        %parallel_loop3A_260 = arith.constant 0 : i32
        %parallel_loop3A_261 = arith.addi %parallel_loop3A_259, %parallel_loop3A_260 : i32
        %parallel_loop3A_262 = arith.index_cast %and3A_65 : i32 to index
        %parallel_loop3A_263 = arith.index_cast %parallel_loop3A_261 : i32 to index
        %parallel_loop3A_264 = tpu.vector_load %arg6[%parallel_loop3A_262, %parallel_loop3A_263] {strides = array<i32>} : memref<2x16384xf32, #tpu.memory_space<vmem>>, vector<16xf32>,
        tpu.vector_store %arg6[%parallel_loop3A_262, %parallel_loop3A_263], %parallel_loop3A_257 {strides = array<i32>} : memref<2x16384xf32, #tpu.memory_space<vmem>>, vector<16xf32>,
        %parallel_loop3A_265 = vector.shape_cast %parallel_loop3A_254 : vector<16xi32> to vector<16x1xi32>
        %parallel_loop3A_266 = vector.shape_cast %parallel_loop3A_265 : vector<16x1xi32> to vector<16xi32>
        %parallel_loop3A_267 = tpu.dynamic_gather %gather3A_11[%parallel_loop3A_266] in [0] : vector<16xf32>, vector<16xi32> -> vector<16xf32>
        %parallel_loop3A_268 = arith.constant 128 : i32
        %parallel_loop3A_269 = arith.addi %parallel_loop3A_247, %parallel_loop3A_268 : i32
        %parallel_loop3A_270 = arith.constant 0 : i32
        %parallel_loop3A_271 = arith.addi %parallel_loop3A_269, %parallel_loop3A_270 : i32
        %parallel_loop3A_272 = arith.index_cast %and3A_65 : i32 to index
        %parallel_loop3A_273 = arith.index_cast %parallel_loop3A_271 : i32 to index
        %parallel_loop3A_274 = tpu.vector_load %arg6[%parallel_loop3A_272, %parallel_loop3A_273] {strides = array<i32>} : memref<2x16384xf32, #tpu.memory_space<vmem>>, vector<16xf32>,
        tpu.vector_store %arg6[%parallel_loop3A_272, %parallel_loop3A_273], %parallel_loop3A_267 {strides = array<i32>} : memref<2x16384xf32, #tpu.memory_space<vmem>>, vector<16xf32>,
        %parallel_loop3A_275 = vector.shape_cast %parallel_loop3A_254 : vector<16xi32> to vector<16x1xi32>
        %parallel_loop3A_276 = vector.shape_cast %parallel_loop3A_275 : vector<16x1xi32> to vector<16xi32>
        %parallel_loop3A_277 = tpu.dynamic_gather %gather3A_15[%parallel_loop3A_276] in [0] : vector<16xf32>, vector<16xi32> -> vector<16xf32>
        %parallel_loop3A_278 = arith.constant 256 : i32
        %parallel_loop3A_279 = arith.addi %parallel_loop3A_247, %parallel_loop3A_278 : i32
        %parallel_loop3A_280 = arith.constant 0 : i32
        %parallel_loop3A_281 = arith.addi %parallel_loop3A_279, %parallel_loop3A_280 : i32
        %parallel_loop3A_282 = arith.index_cast %and3A_65 : i32 to index
        %parallel_loop3A_283 = arith.index_cast %parallel_loop3A_281 : i32 to index
        %parallel_loop3A_284 = tpu.vector_load %arg6[%parallel_loop3A_282, %parallel_loop3A_283] {strides = array<i32>} : memref<2x16384xf32, #tpu.memory_space<vmem>>, vector<16xf32>,
        tpu.vector_store %arg6[%parallel_loop3A_282, %parallel_loop3A_283], %parallel_loop3A_277 {strides = array<i32>} : memref<2x16384xf32, #tpu.memory_space<vmem>>, vector<16xf32>,
        %parallel_loop3A_285 = vector.shape_cast %parallel_loop3A_254 : vector<16xi32> to vector<16x1xi32>
        %parallel_loop3A_286 = vector.shape_cast %parallel_loop3A_285 : vector<16x1xi32> to vector<16xi32>
        %parallel_loop3A_287 = tpu.dynamic_gather %gather3A_19[%parallel_loop3A_286] in [0] : vector<16xf32>, vector<16xi32> -> vector<16xf32>
        %parallel_loop3A_288 = arith.constant 384 : i32
        %parallel_loop3A_289 = arith.addi %parallel_loop3A_247, %parallel_loop3A_288 : i32
        %parallel_loop3A_290 = arith.constant 0 : i32
        %parallel_loop3A_291 = arith.addi %parallel_loop3A_289, %parallel_loop3A_290 : i32
        %parallel_loop3A_292 = arith.index_cast %and3A_65 : i32 to index
        %parallel_loop3A_293 = arith.index_cast %parallel_loop3A_291 : i32 to index
        %parallel_loop3A_294 = tpu.vector_load %arg6[%parallel_loop3A_292, %parallel_loop3A_293] {strides = array<i32>} : memref<2x16384xf32, #tpu.memory_space<vmem>>, vector<16xf32>,
        tpu.vector_store %arg6[%parallel_loop3A_292, %parallel_loop3A_293], %parallel_loop3A_287 {strides = array<i32>} : memref<2x16384xf32, #tpu.memory_space<vmem>>, vector<16xf32>,
        %parallel_loop3A_295 = arith.constant 128 : i32
        %parallel_loop3A_296 = arith.muli %parallel_loop3A_236, %parallel_loop3A_295 : i32
        %parallel_loop3A_297 = arith.constant 16 : i32
        %parallel_loop3A_298 = arith.addi %parallel_loop3A_296, %parallel_loop3A_297 : i32
        %parallel_loop3A_299 = arith.index_cast %and3A_65 : i32 to index
        %parallel_loop3A_300 = arith.index_cast %parallel_loop3A_298 : i32 to index
        %parallel_loop3A_301 = tpu.vector_load %arg5[%parallel_loop3A_299, %parallel_loop3A_300] {strides = array<i32>} : memref<2x4096xi32, #tpu.memory_space<vmem>>, vector<16xi32>,
        %parallel_loop3A_302 = vector.shape_cast %parallel_loop3A_301 : vector<16xi32> to vector<16x1xi32>
        %parallel_loop3A_303 = vector.shape_cast %parallel_loop3A_302 : vector<16x1xi32> to vector<16xi32>
        %parallel_loop3A_304 = tpu.dynamic_gather %gather3A[%parallel_loop3A_303] in [0] : vector<16xf32>, vector<16xi32> -> vector<16xf32>
        %parallel_loop3A_305 = arith.constant 0 : i32
        %parallel_loop3A_306 = arith.addi %parallel_loop3A_247, %parallel_loop3A_305 : i32
        %parallel_loop3A_307 = arith.constant 16 : i32
        %parallel_loop3A_308 = arith.addi %parallel_loop3A_306, %parallel_loop3A_307 : i32
        %parallel_loop3A_309 = arith.index_cast %and3A_65 : i32 to index
        %parallel_loop3A_310 = arith.index_cast %parallel_loop3A_308 : i32 to index
        %parallel_loop3A_311 = tpu.vector_load %arg6[%parallel_loop3A_309, %parallel_loop3A_310] {strides = array<i32>} : memref<2x16384xf32, #tpu.memory_space<vmem>>, vector<16xf32>,
        tpu.vector_store %arg6[%parallel_loop3A_309, %parallel_loop3A_310], %parallel_loop3A_304 {strides = array<i32>} : memref<2x16384xf32, #tpu.memory_space<vmem>>, vector<16xf32>,
        %parallel_loop3A_312 = vector.shape_cast %parallel_loop3A_301 : vector<16xi32> to vector<16x1xi32>
        %parallel_loop3A_313 = vector.shape_cast %parallel_loop3A_312 : vector<16x1xi32> to vector<16xi32>
        %parallel_loop3A_314 = tpu.dynamic_gather %gather3A_11[%parallel_loop3A_313] in [0] : vector<16xf32>, vector<16xi32> -> vector<16xf32>
        %parallel_loop3A_315 = arith.constant 128 : i32
        %parallel_loop3A_316 = arith.addi %parallel_loop3A_247, %parallel_loop3A_315 : i32
        %parallel_loop3A_317 = arith.constant 16 : i32
        %parallel_loop3A_318 = arith.addi %parallel_loop3A_316, %parallel_loop3A_317 : i32
        %parallel_loop3A_319 = arith.index_cast %and3A_65 : i32 to index
        %parallel_loop3A_320 = arith.index_cast %parallel_loop3A_318 : i32 to index
        %parallel_loop3A_321 = tpu.vector_load %arg6[%parallel_loop3A_319, %parallel_loop3A_320] {strides = array<i32>} : memref<2x16384xf32, #tpu.memory_space<vmem>>, vector<16xf32>,
        tpu.vector_store %arg6[%parallel_loop3A_319, %parallel_loop3A_320], %parallel_loop3A_314 {strides = array<i32>} : memref<2x16384xf32, #tpu.memory_space<vmem>>, vector<16xf32>,
        %parallel_loop3A_322 = vector.shape_cast %parallel_loop3A_301 : vector<16xi32> to vector<16x1xi32>
        %parallel_loop3A_323 = vector.shape_cast %parallel_loop3A_322 : vector<16x1xi32> to vector<16xi32>
        %parallel_loop3A_324 = tpu.dynamic_gather %gather3A_15[%parallel_loop3A_323] in [0] : vector<16xf32>, vector<16xi32> -> vector<16xf32>
        %parallel_loop3A_325 = arith.constant 256 : i32
        %parallel_loop3A_326 = arith.addi %parallel_loop3A_247, %parallel_loop3A_325 : i32
        %parallel_loop3A_327 = arith.constant 16 : i32
        %parallel_loop3A_328 = arith.addi %parallel_loop3A_326, %parallel_loop3A_327 : i32
        %parallel_loop3A_329 = arith.index_cast %and3A_65 : i32 to index
        %parallel_loop3A_330 = arith.index_cast %parallel_loop3A_328 : i32 to index
        %parallel_loop3A_331 = tpu.vector_load %arg6[%parallel_loop3A_329, %parallel_loop3A_330] {strides = array<i32>} : memref<2x16384xf32, #tpu.memory_space<vmem>>, vector<16xf32>,
        tpu.vector_store %arg6[%parallel_loop3A_329, %parallel_loop3A_330], %parallel_loop3A_324 {strides = array<i32>} : memref<2x16384xf32, #tpu.memory_space<vmem>>, vector<16xf32>,
        %parallel_loop3A_332 = vector.shape_cast %parallel_loop3A_301 : vector<16xi32> to vector<16x1xi32>
        %parallel_loop3A_333 = vector.shape_cast %parallel_loop3A_332 : vector<16x1xi32> to vector<16xi32>
        %parallel_loop3A_334 = tpu.dynamic_gather %gather3A_19[%parallel_loop3A_333] in [0] : vector<16xf32>, vector<16xi32> -> vector<16xf32>
        %parallel_loop3A_335 = arith.constant 384 : i32
        %parallel_loop3A_336 = arith.addi %parallel_loop3A_247, %parallel_loop3A_335 : i32
        %parallel_loop3A_337 = arith.constant 16 : i32
        %parallel_loop3A_338 = arith.addi %parallel_loop3A_336, %parallel_loop3A_337 : i32
        %parallel_loop3A_339 = arith.index_cast %and3A_65 : i32 to index
        %parallel_loop3A_340 = arith.index_cast %parallel_loop3A_338 : i32 to index
        %parallel_loop3A_341 = tpu.vector_load %arg6[%parallel_loop3A_339, %parallel_loop3A_340] {strides = array<i32>} : memref<2x16384xf32, #tpu.memory_space<vmem>>, vector<16xf32>,
        tpu.vector_store %arg6[%parallel_loop3A_339, %parallel_loop3A_340], %parallel_loop3A_334 {strides = array<i32>} : memref<2x16384xf32, #tpu.memory_space<vmem>>, vector<16xf32>,
        %parallel_loop3A_342 = arith.constant 128 : i32
        %parallel_loop3A_343 = arith.muli %parallel_loop3A_236, %parallel_loop3A_342 : i32
        %parallel_loop3A_344 = arith.constant 32 : i32
        %parallel_loop3A_345 = arith.addi %parallel_loop3A_343, %parallel_loop3A_344 : i32
        %parallel_loop3A_346 = arith.index_cast %and3A_65 : i32 to index
        %parallel_loop3A_347 = arith.index_cast %parallel_loop3A_345 : i32 to index
        %parallel_loop3A_348 = tpu.vector_load %arg5[%parallel_loop3A_346, %parallel_loop3A_347] {strides = array<i32>} : memref<2x4096xi32, #tpu.memory_space<vmem>>, vector<16xi32>,
        %parallel_loop3A_349 = vector.shape_cast %parallel_loop3A_348 : vector<16xi32> to vector<16x1xi32>
        %parallel_loop3A_350 = vector.shape_cast %parallel_loop3A_349 : vector<16x1xi32> to vector<16xi32>
        %parallel_loop3A_351 = tpu.dynamic_gather %gather3A[%parallel_loop3A_350] in [0] : vector<16xf32>, vector<16xi32> -> vector<16xf32>
        %parallel_loop3A_352 = arith.constant 0 : i32
        %parallel_loop3A_353 = arith.addi %parallel_loop3A_247, %parallel_loop3A_352 : i32
        %parallel_loop3A_354 = arith.constant 32 : i32
        %parallel_loop3A_355 = arith.addi %parallel_loop3A_353, %parallel_loop3A_354 : i32
        %parallel_loop3A_356 = arith.index_cast %and3A_65 : i32 to index
        %parallel_loop3A_357 = arith.index_cast %parallel_loop3A_355 : i32 to index
        %parallel_loop3A_358 = tpu.vector_load %arg6[%parallel_loop3A_356, %parallel_loop3A_357] {strides = array<i32>} : memref<2x16384xf32, #tpu.memory_space<vmem>>, vector<16xf32>,
        tpu.vector_store %arg6[%parallel_loop3A_356, %parallel_loop3A_357], %parallel_loop3A_351 {strides = array<i32>} : memref<2x16384xf32, #tpu.memory_space<vmem>>, vector<16xf32>,
        %parallel_loop3A_359 = vector.shape_cast %parallel_loop3A_348 : vector<16xi32> to vector<16x1xi32>
        %parallel_loop3A_360 = vector.shape_cast %parallel_loop3A_359 : vector<16x1xi32> to vector<16xi32>
        %parallel_loop3A_361 = tpu.dynamic_gather %gather3A_11[%parallel_loop3A_360] in [0] : vector<16xf32>, vector<16xi32> -> vector<16xf32>
        %parallel_loop3A_362 = arith.constant 128 : i32
        %parallel_loop3A_363 = arith.addi %parallel_loop3A_247, %parallel_loop3A_362 : i32
        %parallel_loop3A_364 = arith.constant 32 : i32
        %parallel_loop3A_365 = arith.addi %parallel_loop3A_363, %parallel_loop3A_364 : i32
        %parallel_loop3A_366 = arith.index_cast %and3A_65 : i32 to index
        %parallel_loop3A_367 = arith.index_cast %parallel_loop3A_365 : i32 to index
        %parallel_loop3A_368 = tpu.vector_load %arg6[%parallel_loop3A_366, %parallel_loop3A_367] {strides = array<i32>} : memref<2x16384xf32, #tpu.memory_space<vmem>>, vector<16xf32>,
        tpu.vector_store %arg6[%parallel_loop3A_366, %parallel_loop3A_367], %parallel_loop3A_361 {strides = array<i32>} : memref<2x16384xf32, #tpu.memory_space<vmem>>, vector<16xf32>,
        %parallel_loop3A_369 = vector.shape_cast %parallel_loop3A_348 : vector<16xi32> to vector<16x1xi32>
        %parallel_loop3A_370 = vector.shape_cast %parallel_loop3A_369 : vector<16x1xi32> to vector<16xi32>
        %parallel_loop3A_371 = tpu.dynamic_gather %gather3A_15[%parallel_loop3A_370] in [0] : vector<16xf32>, vector<16xi32> -> vector<16xf32>
        %parallel_loop3A_372 = arith.constant 256 : i32
        %parallel_loop3A_373 = arith.addi %parallel_loop3A_247, %parallel_loop3A_372 : i32
        %parallel_loop3A_374 = arith.constant 32 : i32
        %parallel_loop3A_375 = arith.addi %parallel_loop3A_373, %parallel_loop3A_374 : i32
        %parallel_loop3A_376 = arith.index_cast %and3A_65 : i32 to index
        %parallel_loop3A_377 = arith.index_cast %parallel_loop3A_375 : i32 to index
        %parallel_loop3A_378 = tpu.vector_load %arg6[%parallel_loop3A_376, %parallel_loop3A_377] {strides = array<i32>} : memref<2x16384xf32, #tpu.memory_space<vmem>>, vector<16xf32>,
        tpu.vector_store %arg6[%parallel_loop3A_376, %parallel_loop3A_377], %parallel_loop3A_371 {strides = array<i32>} : memref<2x16384xf32, #tpu.memory_space<vmem>>, vector<16xf32>,
        %parallel_loop3A_379 = vector.shape_cast %parallel_loop3A_348 : vector<16xi32> to vector<16x1xi32>
        %parallel_loop3A_380 = vector.shape_cast %parallel_loop3A_379 : vector<16x1xi32> to vector<16xi32>
        %parallel_loop3A_381 = tpu.dynamic_gather %gather3A_19[%parallel_loop3A_380] in [0] : vector<16xf32>, vector<16xi32> -> vector<16xf32>
        %parallel_loop3A_382 = arith.constant 384 : i32
        %parallel_loop3A_383 = arith.addi %parallel_loop3A_247, %parallel_loop3A_382 : i32
        %parallel_loop3A_384 = arith.constant 32 : i32
        %parallel_loop3A_385 = arith.addi %parallel_loop3A_383, %parallel_loop3A_384 : i32
        %parallel_loop3A_386 = arith.index_cast %and3A_65 : i32 to index
        %parallel_loop3A_387 = arith.index_cast %parallel_loop3A_385 : i32 to index
        %parallel_loop3A_388 = tpu.vector_load %arg6[%parallel_loop3A_386, %parallel_loop3A_387] {strides = array<i32>} : memref<2x16384xf32, #tpu.memory_space<vmem>>, vector<16xf32>,
        tpu.vector_store %arg6[%parallel_loop3A_386, %parallel_loop3A_387], %parallel_loop3A_381 {strides = array<i32>} : memref<2x16384xf32, #tpu.memory_space<vmem>>, vector<16xf32>,
        %parallel_loop3A_389 = arith.constant 128 : i32
        %parallel_loop3A_390 = arith.muli %parallel_loop3A_236, %parallel_loop3A_389 : i32
        %parallel_loop3A_391 = arith.constant 48 : i32
        %parallel_loop3A_392 = arith.addi %parallel_loop3A_390, %parallel_loop3A_391 : i32
        %parallel_loop3A_393 = arith.index_cast %and3A_65 : i32 to index
        %parallel_loop3A_394 = arith.index_cast %parallel_loop3A_392 : i32 to index
        %parallel_loop3A_395 = tpu.vector_load %arg5[%parallel_loop3A_393, %parallel_loop3A_394] {strides = array<i32>} : memref<2x4096xi32, #tpu.memory_space<vmem>>, vector<16xi32>,
        %parallel_loop3A_396 = vector.shape_cast %parallel_loop3A_395 : vector<16xi32> to vector<16x1xi32>
        %parallel_loop3A_397 = vector.shape_cast %parallel_loop3A_396 : vector<16x1xi32> to vector<16xi32>
        %parallel_loop3A_398 = tpu.dynamic_gather %gather3A[%parallel_loop3A_397] in [0] : vector<16xf32>, vector<16xi32> -> vector<16xf32>
        %parallel_loop3A_399 = arith.constant 0 : i32
        %parallel_loop3A_400 = arith.addi %parallel_loop3A_247, %parallel_loop3A_399 : i32
        %parallel_loop3A_401 = arith.constant 48 : i32
        %parallel_loop3A_402 = arith.addi %parallel_loop3A_400, %parallel_loop3A_401 : i32
        %parallel_loop3A_403 = arith.index_cast %and3A_65 : i32 to index
        %parallel_loop3A_404 = arith.index_cast %parallel_loop3A_402 : i32 to index
        %parallel_loop3A_405 = tpu.vector_load %arg6[%parallel_loop3A_403, %parallel_loop3A_404] {strides = array<i32>} : memref<2x16384xf32, #tpu.memory_space<vmem>>, vector<16xf32>,
        tpu.vector_store %arg6[%parallel_loop3A_403, %parallel_loop3A_404], %parallel_loop3A_398 {strides = array<i32>} : memref<2x16384xf32, #tpu.memory_space<vmem>>, vector<16xf32>,
        %parallel_loop3A_406 = vector.shape_cast %parallel_loop3A_395 : vector<16xi32> to vector<16x1xi32>
        %parallel_loop3A_407 = vector.shape_cast %parallel_loop3A_406 : vector<16x1xi32> to vector<16xi32>
        %parallel_loop3A_408 = tpu.dynamic_gather %gather3A_11[%parallel_loop3A_407] in [0] : vector<16xf32>, vector<16xi32> -> vector<16xf32>
        %parallel_loop3A_409 = arith.constant 128 : i32
        %parallel_loop3A_410 = arith.addi %parallel_loop3A_247, %parallel_loop3A_409 : i32
        %parallel_loop3A_411 = arith.constant 48 : i32
        %parallel_loop3A_412 = arith.addi %parallel_loop3A_410, %parallel_loop3A_411 : i32
        %parallel_loop3A_413 = arith.index_cast %and3A_65 : i32 to index
        %parallel_loop3A_414 = arith.index_cast %parallel_loop3A_412 : i32 to index
        %parallel_loop3A_415 = tpu.vector_load %arg6[%parallel_loop3A_413, %parallel_loop3A_414] {strides = array<i32>} : memref<2x16384xf32, #tpu.memory_space<vmem>>, vector<16xf32>,
        tpu.vector_store %arg6[%parallel_loop3A_413, %parallel_loop3A_414], %parallel_loop3A_408 {strides = array<i32>} : memref<2x16384xf32, #tpu.memory_space<vmem>>, vector<16xf32>,
        %parallel_loop3A_416 = vector.shape_cast %parallel_loop3A_395 : vector<16xi32> to vector<16x1xi32>
        %parallel_loop3A_417 = vector.shape_cast %parallel_loop3A_416 : vector<16x1xi32> to vector<16xi32>
        %parallel_loop3A_418 = tpu.dynamic_gather %gather3A_15[%parallel_loop3A_417] in [0] : vector<16xf32>, vector<16xi32> -> vector<16xf32>
        %parallel_loop3A_419 = arith.constant 256 : i32
        %parallel_loop3A_420 = arith.addi %parallel_loop3A_247, %parallel_loop3A_419 : i32
        %parallel_loop3A_421 = arith.constant 48 : i32
        %parallel_loop3A_422 = arith.addi %parallel_loop3A_420, %parallel_loop3A_421 : i32
        %parallel_loop3A_423 = arith.index_cast %and3A_65 : i32 to index
        %parallel_loop3A_424 = arith.index_cast %parallel_loop3A_422 : i32 to index
        %parallel_loop3A_425 = tpu.vector_load %arg6[%parallel_loop3A_423, %parallel_loop3A_424] {strides = array<i32>} : memref<2x16384xf32, #tpu.memory_space<vmem>>, vector<16xf32>,
        tpu.vector_store %arg6[%parallel_loop3A_423, %parallel_loop3A_424], %parallel_loop3A_418 {strides = array<i32>} : memref<2x16384xf32, #tpu.memory_space<vmem>>, vector<16xf32>,
        %parallel_loop3A_426 = vector.shape_cast %parallel_loop3A_395 : vector<16xi32> to vector<16x1xi32>
        %parallel_loop3A_427 = vector.shape_cast %parallel_loop3A_426 : vector<16x1xi32> to vector<16xi32>
        %parallel_loop3A_428 = tpu.dynamic_gather %gather3A_19[%parallel_loop3A_427] in [0] : vector<16xf32>, vector<16xi32> -> vector<16xf32>
        %parallel_loop3A_429 = arith.constant 384 : i32
        %parallel_loop3A_430 = arith.addi %parallel_loop3A_247, %parallel_loop3A_429 : i32
        %parallel_loop3A_431 = arith.constant 48 : i32
        %parallel_loop3A_432 = arith.addi %parallel_loop3A_430, %parallel_loop3A_431 : i32
        %parallel_loop3A_433 = arith.index_cast %and3A_65 : i32 to index
        %parallel_loop3A_434 = arith.index_cast %parallel_loop3A_432 : i32 to index
        %parallel_loop3A_435 = tpu.vector_load %arg6[%parallel_loop3A_433, %parallel_loop3A_434] {strides = array<i32>} : memref<2x16384xf32, #tpu.memory_space<vmem>>, vector<16xf32>,
        tpu.vector_store %arg6[%parallel_loop3A_433, %parallel_loop3A_434], %parallel_loop3A_428 {strides = array<i32>} : memref<2x16384xf32, #tpu.memory_space<vmem>>, vector<16xf32>,
        %parallel_loop3A_436 = arith.constant 128 : i32
        %parallel_loop3A_437 = arith.muli %parallel_loop3A_236, %parallel_loop3A_436 : i32
        %parallel_loop3A_438 = arith.constant 64 : i32
        %parallel_loop3A_439 = arith.addi %parallel_loop3A_437, %parallel_loop3A_438 : i32
        %parallel_loop3A_440 = arith.index_cast %and3A_65 : i32 to index
        %parallel_loop3A_441 = arith.index_cast %parallel_loop3A_439 : i32 to index
        %parallel_loop3A_442 = tpu.vector_load %arg5[%parallel_loop3A_440, %parallel_loop3A_441] {strides = array<i32>} : memref<2x4096xi32, #tpu.memory_space<vmem>>, vector<16xi32>,
        %parallel_loop3A_443 = vector.shape_cast %parallel_loop3A_442 : vector<16xi32> to vector<16x1xi32>
        %parallel_loop3A_444 = vector.shape_cast %parallel_loop3A_443 : vector<16x1xi32> to vector<16xi32>
        %parallel_loop3A_445 = tpu.dynamic_gather %gather3A[%parallel_loop3A_444] in [0] : vector<16xf32>, vector<16xi32> -> vector<16xf32>
        %parallel_loop3A_446 = arith.constant 0 : i32
        %parallel_loop3A_447 = arith.addi %parallel_loop3A_247, %parallel_loop3A_446 : i32
        %parallel_loop3A_448 = arith.constant 64 : i32
        %parallel_loop3A_449 = arith.addi %parallel_loop3A_447, %parallel_loop3A_448 : i32
        %parallel_loop3A_450 = arith.index_cast %and3A_65 : i32 to index
        %parallel_loop3A_451 = arith.index_cast %parallel_loop3A_449 : i32 to index
        %parallel_loop3A_452 = tpu.vector_load %arg6[%parallel_loop3A_450, %parallel_loop3A_451] {strides = array<i32>} : memref<2x16384xf32, #tpu.memory_space<vmem>>, vector<16xf32>,
        tpu.vector_store %arg6[%parallel_loop3A_450, %parallel_loop3A_451], %parallel_loop3A_445 {strides = array<i32>} : memref<2x16384xf32, #tpu.memory_space<vmem>>, vector<16xf32>,
        %parallel_loop3A_453 = vector.shape_cast %parallel_loop3A_442 : vector<16xi32> to vector<16x1xi32>
        %parallel_loop3A_454 = vector.shape_cast %parallel_loop3A_453 : vector<16x1xi32> to vector<16xi32>
        %parallel_loop3A_455 = tpu.dynamic_gather %gather3A_11[%parallel_loop3A_454] in [0] : vector<16xf32>, vector<16xi32> -> vector<16xf32>
        %parallel_loop3A_456 = arith.constant 128 : i32
        %parallel_loop3A_457 = arith.addi %parallel_loop3A_247, %parallel_loop3A_456 : i32
        %parallel_loop3A_458 = arith.constant 64 : i32
        %parallel_loop3A_459 = arith.addi %parallel_loop3A_457, %parallel_loop3A_458 : i32
        %parallel_loop3A_460 = arith.index_cast %and3A_65 : i32 to index
        %parallel_loop3A_461 = arith.index_cast %parallel_loop3A_459 : i32 to index
        %parallel_loop3A_462 = tpu.vector_load %arg6[%parallel_loop3A_460, %parallel_loop3A_461] {strides = array<i32>} : memref<2x16384xf32, #tpu.memory_space<vmem>>, vector<16xf32>,
        tpu.vector_store %arg6[%parallel_loop3A_460, %parallel_loop3A_461], %parallel_loop3A_455 {strides = array<i32>} : memref<2x16384xf32, #tpu.memory_space<vmem>>, vector<16xf32>,
        %parallel_loop3A_463 = vector.shape_cast %parallel_loop3A_442 : vector<16xi32> to vector<16x1xi32>
        %parallel_loop3A_464 = vector.shape_cast %parallel_loop3A_463 : vector<16x1xi32> to vector<16xi32>
        %parallel_loop3A_465 = tpu.dynamic_gather %gather3A_15[%parallel_loop3A_464] in [0] : vector<16xf32>, vector<16xi32> -> vector<16xf32>
        %parallel_loop3A_466 = arith.constant 256 : i32
        %parallel_loop3A_467 = arith.addi %parallel_loop3A_247, %parallel_loop3A_466 : i32
        %parallel_loop3A_468 = arith.constant 64 : i32
        %parallel_loop3A_469 = arith.addi %parallel_loop3A_467, %parallel_loop3A_468 : i32
        %parallel_loop3A_470 = arith.index_cast %and3A_65 : i32 to index
        %parallel_loop3A_471 = arith.index_cast %parallel_loop3A_469 : i32 to index
        %parallel_loop3A_472 = tpu.vector_load %arg6[%parallel_loop3A_470, %parallel_loop3A_471] {strides = array<i32>} : memref<2x16384xf32, #tpu.memory_space<vmem>>, vector<16xf32>,
        tpu.vector_store %arg6[%parallel_loop3A_470, %parallel_loop3A_471], %parallel_loop3A_465 {strides = array<i32>} : memref<2x16384xf32, #tpu.memory_space<vmem>>, vector<16xf32>,
        %parallel_loop3A_473 = vector.shape_cast %parallel_loop3A_442 : vector<16xi32> to vector<16x1xi32>
        %parallel_loop3A_474 = vector.shape_cast %parallel_loop3A_473 : vector<16x1xi32> to vector<16xi32>
        %parallel_loop3A_475 = tpu.dynamic_gather %gather3A_19[%parallel_loop3A_474] in [0] : vector<16xf32>, vector<16xi32> -> vector<16xf32>
        %parallel_loop3A_476 = arith.constant 384 : i32
        %parallel_loop3A_477 = arith.addi %parallel_loop3A_247, %parallel_loop3A_476 : i32
        %parallel_loop3A_478 = arith.constant 64 : i32
        %parallel_loop3A_479 = arith.addi %parallel_loop3A_477, %parallel_loop3A_478 : i32
        %parallel_loop3A_480 = arith.index_cast %and3A_65 : i32 to index
        %parallel_loop3A_481 = arith.index_cast %parallel_loop3A_479 : i32 to index
        %parallel_loop3A_482 = tpu.vector_load %arg6[%parallel_loop3A_480, %parallel_loop3A_481] {strides = array<i32>} : memref<2x16384xf32, #tpu.memory_space<vmem>>, vector<16xf32>,
        tpu.vector_store %arg6[%parallel_loop3A_480, %parallel_loop3A_481], %parallel_loop3A_475 {strides = array<i32>} : memref<2x16384xf32, #tpu.memory_space<vmem>>, vector<16xf32>,
        %parallel_loop3A_483 = arith.constant 128 : i32
        %parallel_loop3A_484 = arith.muli %parallel_loop3A_236, %parallel_loop3A_483 : i32
        %parallel_loop3A_485 = arith.constant 80 : i32
        %parallel_loop3A_486 = arith.addi %parallel_loop3A_484, %parallel_loop3A_485 : i32
        %parallel_loop3A_487 = arith.index_cast %and3A_65 : i32 to index
        %parallel_loop3A_488 = arith.index_cast %parallel_loop3A_486 : i32 to index
        %parallel_loop3A_489 = tpu.vector_load %arg5[%parallel_loop3A_487, %parallel_loop3A_488] {strides = array<i32>} : memref<2x4096xi32, #tpu.memory_space<vmem>>, vector<16xi32>,
        %parallel_loop3A_490 = vector.shape_cast %parallel_loop3A_489 : vector<16xi32> to vector<16x1xi32>
        %parallel_loop3A_491 = vector.shape_cast %parallel_loop3A_490 : vector<16x1xi32> to vector<16xi32>
        %parallel_loop3A_492 = tpu.dynamic_gather %gather3A[%parallel_loop3A_491] in [0] : vector<16xf32>, vector<16xi32> -> vector<16xf32>
        %parallel_loop3A_493 = arith.constant 0 : i32
        %parallel_loop3A_494 = arith.addi %parallel_loop3A_247, %parallel_loop3A_493 : i32
        %parallel_loop3A_495 = arith.constant 80 : i32
        %parallel_loop3A_496 = arith.addi %parallel_loop3A_494, %parallel_loop3A_495 : i32
        %parallel_loop3A_497 = arith.index_cast %and3A_65 : i32 to index
        %parallel_loop3A_498 = arith.index_cast %parallel_loop3A_496 : i32 to index
        %parallel_loop3A_499 = tpu.vector_load %arg6[%parallel_loop3A_497, %parallel_loop3A_498] {strides = array<i32>} : memref<2x16384xf32, #tpu.memory_space<vmem>>, vector<16xf32>,
        tpu.vector_store %arg6[%parallel_loop3A_497, %parallel_loop3A_498], %parallel_loop3A_492 {strides = array<i32>} : memref<2x16384xf32, #tpu.memory_space<vmem>>, vector<16xf32>,
        %parallel_loop3A_500 = vector.shape_cast %parallel_loop3A_489 : vector<16xi32> to vector<16x1xi32>
        %parallel_loop3A_501 = vector.shape_cast %parallel_loop3A_500 : vector<16x1xi32> to vector<16xi32>
        %parallel_loop3A_502 = tpu.dynamic_gather %gather3A_11[%parallel_loop3A_501] in [0] : vector<16xf32>, vector<16xi32> -> vector<16xf32>
        %parallel_loop3A_503 = arith.constant 128 : i32
        %parallel_loop3A_504 = arith.addi %parallel_loop3A_247, %parallel_loop3A_503 : i32
        %parallel_loop3A_505 = arith.constant 80 : i32
        %parallel_loop3A_506 = arith.addi %parallel_loop3A_504, %parallel_loop3A_505 : i32
        %parallel_loop3A_507 = arith.index_cast %and3A_65 : i32 to index
        %parallel_loop3A_508 = arith.index_cast %parallel_loop3A_506 : i32 to index
        %parallel_loop3A_509 = tpu.vector_load %arg6[%parallel_loop3A_507, %parallel_loop3A_508] {strides = array<i32>} : memref<2x16384xf32, #tpu.memory_space<vmem>>, vector<16xf32>,
        tpu.vector_store %arg6[%parallel_loop3A_507, %parallel_loop3A_508], %parallel_loop3A_502 {strides = array<i32>} : memref<2x16384xf32, #tpu.memory_space<vmem>>, vector<16xf32>,
        %parallel_loop3A_510 = vector.shape_cast %parallel_loop3A_489 : vector<16xi32> to vector<16x1xi32>
        %parallel_loop3A_511 = vector.shape_cast %parallel_loop3A_510 : vector<16x1xi32> to vector<16xi32>
        %parallel_loop3A_512 = tpu.dynamic_gather %gather3A_15[%parallel_loop3A_511] in [0] : vector<16xf32>, vector<16xi32> -> vector<16xf32>
        %parallel_loop3A_513 = arith.constant 256 : i32
        %parallel_loop3A_514 = arith.addi %parallel_loop3A_247, %parallel_loop3A_513 : i32
        %parallel_loop3A_515 = arith.constant 80 : i32
        %parallel_loop3A_516 = arith.addi %parallel_loop3A_514, %parallel_loop3A_515 : i32
        %parallel_loop3A_517 = arith.index_cast %and3A_65 : i32 to index
        %parallel_loop3A_518 = arith.index_cast %parallel_loop3A_516 : i32 to index
        %parallel_loop3A_519 = tpu.vector_load %arg6[%parallel_loop3A_517, %parallel_loop3A_518] {strides = array<i32>} : memref<2x16384xf32, #tpu.memory_space<vmem>>, vector<16xf32>,
        tpu.vector_store %arg6[%parallel_loop3A_517, %parallel_loop3A_518], %parallel_loop3A_512 {strides = array<i32>} : memref<2x16384xf32, #tpu.memory_space<vmem>>, vector<16xf32>,
        %parallel_loop3A_520 = vector.shape_cast %parallel_loop3A_489 : vector<16xi32> to vector<16x1xi32>
        %parallel_loop3A_521 = vector.shape_cast %parallel_loop3A_520 : vector<16x1xi32> to vector<16xi32>
        %parallel_loop3A_522 = tpu.dynamic_gather %gather3A_19[%parallel_loop3A_521] in [0] : vector<16xf32>, vector<16xi32> -> vector<16xf32>
        %parallel_loop3A_523 = arith.constant 384 : i32
        %parallel_loop3A_524 = arith.addi %parallel_loop3A_247, %parallel_loop3A_523 : i32
        %parallel_loop3A_525 = arith.constant 80 : i32
        %parallel_loop3A_526 = arith.addi %parallel_loop3A_524, %parallel_loop3A_525 : i32
        %parallel_loop3A_527 = arith.index_cast %and3A_65 : i32 to index
        %parallel_loop3A_528 = arith.index_cast %parallel_loop3A_526 : i32 to index
        %parallel_loop3A_529 = tpu.vector_load %arg6[%parallel_loop3A_527, %parallel_loop3A_528] {strides = array<i32>} : memref<2x16384xf32, #tpu.memory_space<vmem>>, vector<16xf32>,
        tpu.vector_store %arg6[%parallel_loop3A_527, %parallel_loop3A_528], %parallel_loop3A_522 {strides = array<i32>} : memref<2x16384xf32, #tpu.memory_space<vmem>>, vector<16xf32>,
        %parallel_loop3A_530 = arith.constant 128 : i32
        %parallel_loop3A_531 = arith.muli %parallel_loop3A_236, %parallel_loop3A_530 : i32
        %parallel_loop3A_532 = arith.constant 96 : i32
        %parallel_loop3A_533 = arith.addi %parallel_loop3A_531, %parallel_loop3A_532 : i32
        %parallel_loop3A_534 = arith.index_cast %and3A_65 : i32 to index
        %parallel_loop3A_535 = arith.index_cast %parallel_loop3A_533 : i32 to index
        %parallel_loop3A_536 = tpu.vector_load %arg5[%parallel_loop3A_534, %parallel_loop3A_535] {strides = array<i32>} : memref<2x4096xi32, #tpu.memory_space<vmem>>, vector<16xi32>,
        %parallel_loop3A_537 = vector.shape_cast %parallel_loop3A_536 : vector<16xi32> to vector<16x1xi32>
        %parallel_loop3A_538 = vector.shape_cast %parallel_loop3A_537 : vector<16x1xi32> to vector<16xi32>
        %parallel_loop3A_539 = tpu.dynamic_gather %gather3A[%parallel_loop3A_538] in [0] : vector<16xf32>, vector<16xi32> -> vector<16xf32>
        %parallel_loop3A_540 = arith.constant 0 : i32
        %parallel_loop3A_541 = arith.addi %parallel_loop3A_247, %parallel_loop3A_540 : i32
        %parallel_loop3A_542 = arith.constant 96 : i32
        %parallel_loop3A_543 = arith.addi %parallel_loop3A_541, %parallel_loop3A_542 : i32
        %parallel_loop3A_544 = arith.index_cast %and3A_65 : i32 to index
        %parallel_loop3A_545 = arith.index_cast %parallel_loop3A_543 : i32 to index
        %parallel_loop3A_546 = tpu.vector_load %arg6[%parallel_loop3A_544, %parallel_loop3A_545] {strides = array<i32>} : memref<2x16384xf32, #tpu.memory_space<vmem>>, vector<16xf32>,
        tpu.vector_store %arg6[%parallel_loop3A_544, %parallel_loop3A_545], %parallel_loop3A_539 {strides = array<i32>} : memref<2x16384xf32, #tpu.memory_space<vmem>>, vector<16xf32>,
        %parallel_loop3A_547 = vector.shape_cast %parallel_loop3A_536 : vector<16xi32> to vector<16x1xi32>
        %parallel_loop3A_548 = vector.shape_cast %parallel_loop3A_547 : vector<16x1xi32> to vector<16xi32>
        %parallel_loop3A_549 = tpu.dynamic_gather %gather3A_11[%parallel_loop3A_548] in [0] : vector<16xf32>, vector<16xi32> -> vector<16xf32>
        %parallel_loop3A_550 = arith.constant 128 : i32
        %parallel_loop3A_551 = arith.addi %parallel_loop3A_247, %parallel_loop3A_550 : i32
        %parallel_loop3A_552 = arith.constant 96 : i32
        %parallel_loop3A_553 = arith.addi %parallel_loop3A_551, %parallel_loop3A_552 : i32
        %parallel_loop3A_554 = arith.index_cast %and3A_65 : i32 to index
        %parallel_loop3A_555 = arith.index_cast %parallel_loop3A_553 : i32 to index
        %parallel_loop3A_556 = tpu.vector_load %arg6[%parallel_loop3A_554, %parallel_loop3A_555] {strides = array<i32>} : memref<2x16384xf32, #tpu.memory_space<vmem>>, vector<16xf32>,
        tpu.vector_store %arg6[%parallel_loop3A_554, %parallel_loop3A_555], %parallel_loop3A_549 {strides = array<i32>} : memref<2x16384xf32, #tpu.memory_space<vmem>>, vector<16xf32>,
        %parallel_loop3A_557 = vector.shape_cast %parallel_loop3A_536 : vector<16xi32> to vector<16x1xi32>
        %parallel_loop3A_558 = vector.shape_cast %parallel_loop3A_557 : vector<16x1xi32> to vector<16xi32>
        %parallel_loop3A_559 = tpu.dynamic_gather %gather3A_15[%parallel_loop3A_558] in [0] : vector<16xf32>, vector<16xi32> -> vector<16xf32>
        %parallel_loop3A_560 = arith.constant 256 : i32
        %parallel_loop3A_561 = arith.addi %parallel_loop3A_247, %parallel_loop3A_560 : i32
        %parallel_loop3A_562 = arith.constant 96 : i32
        %parallel_loop3A_563 = arith.addi %parallel_loop3A_561, %parallel_loop3A_562 : i32
        %parallel_loop3A_564 = arith.index_cast %and3A_65 : i32 to index
        %parallel_loop3A_565 = arith.index_cast %parallel_loop3A_563 : i32 to index
        %parallel_loop3A_566 = tpu.vector_load %arg6[%parallel_loop3A_564, %parallel_loop3A_565] {strides = array<i32>} : memref<2x16384xf32, #tpu.memory_space<vmem>>, vector<16xf32>,
        tpu.vector_store %arg6[%parallel_loop3A_564, %parallel_loop3A_565], %parallel_loop3A_559 {strides = array<i32>} : memref<2x16384xf32, #tpu.memory_space<vmem>>, vector<16xf32>,
        %parallel_loop3A_567 = vector.shape_cast %parallel_loop3A_536 : vector<16xi32> to vector<16x1xi32>
        %parallel_loop3A_568 = vector.shape_cast %parallel_loop3A_567 : vector<16x1xi32> to vector<16xi32>
        %parallel_loop3A_569 = tpu.dynamic_gather %gather3A_19[%parallel_loop3A_568] in [0] : vector<16xf32>, vector<16xi32> -> vector<16xf32>
        %parallel_loop3A_570 = arith.constant 384 : i32
        %parallel_loop3A_571 = arith.addi %parallel_loop3A_247, %parallel_loop3A_570 : i32
        %parallel_loop3A_572 = arith.constant 96 : i32
        %parallel_loop3A_573 = arith.addi %parallel_loop3A_571, %parallel_loop3A_572 : i32
        %parallel_loop3A_574 = arith.index_cast %and3A_65 : i32 to index
        %parallel_loop3A_575 = arith.index_cast %parallel_loop3A_573 : i32 to index
        %parallel_loop3A_576 = tpu.vector_load %arg6[%parallel_loop3A_574, %parallel_loop3A_575] {strides = array<i32>} : memref<2x16384xf32, #tpu.memory_space<vmem>>, vector<16xf32>,
        tpu.vector_store %arg6[%parallel_loop3A_574, %parallel_loop3A_575], %parallel_loop3A_569 {strides = array<i32>} : memref<2x16384xf32, #tpu.memory_space<vmem>>, vector<16xf32>,
        %parallel_loop3A_577 = arith.constant 128 : i32
        %parallel_loop3A_578 = arith.muli %parallel_loop3A_236, %parallel_loop3A_577 : i32
        %parallel_loop3A_579 = arith.constant 112 : i32
        %parallel_loop3A_580 = arith.addi %parallel_loop3A_578, %parallel_loop3A_579 : i32
        %parallel_loop3A_581 = arith.index_cast %and3A_65 : i32 to index
        %parallel_loop3A_582 = arith.index_cast %parallel_loop3A_580 : i32 to index
        %parallel_loop3A_583 = tpu.vector_load %arg5[%parallel_loop3A_581, %parallel_loop3A_582] {strides = array<i32>} : memref<2x4096xi32, #tpu.memory_space<vmem>>, vector<16xi32>,
        %parallel_loop3A_584 = vector.shape_cast %parallel_loop3A_583 : vector<16xi32> to vector<16x1xi32>
        %parallel_loop3A_585 = vector.shape_cast %parallel_loop3A_584 : vector<16x1xi32> to vector<16xi32>
        %parallel_loop3A_586 = tpu.dynamic_gather %gather3A[%parallel_loop3A_585] in [0] : vector<16xf32>, vector<16xi32> -> vector<16xf32>
        %parallel_loop3A_587 = arith.constant 0 : i32
        %parallel_loop3A_588 = arith.addi %parallel_loop3A_247, %parallel_loop3A_587 : i32
        %parallel_loop3A_589 = arith.constant 112 : i32
        %parallel_loop3A_590 = arith.addi %parallel_loop3A_588, %parallel_loop3A_589 : i32
        %parallel_loop3A_591 = arith.index_cast %and3A_65 : i32 to index
        %parallel_loop3A_592 = arith.index_cast %parallel_loop3A_590 : i32 to index
        %parallel_loop3A_593 = tpu.vector_load %arg6[%parallel_loop3A_591, %parallel_loop3A_592] {strides = array<i32>} : memref<2x16384xf32, #tpu.memory_space<vmem>>, vector<16xf32>,
        tpu.vector_store %arg6[%parallel_loop3A_591, %parallel_loop3A_592], %parallel_loop3A_586 {strides = array<i32>} : memref<2x16384xf32, #tpu.memory_space<vmem>>, vector<16xf32>,
        %parallel_loop3A_594 = vector.shape_cast %parallel_loop3A_583 : vector<16xi32> to vector<16x1xi32>
        %parallel_loop3A_595 = vector.shape_cast %parallel_loop3A_594 : vector<16x1xi32> to vector<16xi32>
        %parallel_loop3A_596 = tpu.dynamic_gather %gather3A_11[%parallel_loop3A_595] in [0] : vector<16xf32>, vector<16xi32> -> vector<16xf32>
        %parallel_loop3A_597 = arith.constant 128 : i32
        %parallel_loop3A_598 = arith.addi %parallel_loop3A_247, %parallel_loop3A_597 : i32
        %parallel_loop3A_599 = arith.constant 112 : i32
        %parallel_loop3A_600 = arith.addi %parallel_loop3A_598, %parallel_loop3A_599 : i32
        %parallel_loop3A_601 = arith.index_cast %and3A_65 : i32 to index
        %parallel_loop3A_602 = arith.index_cast %parallel_loop3A_600 : i32 to index
        %parallel_loop3A_603 = tpu.vector_load %arg6[%parallel_loop3A_601, %parallel_loop3A_602] {strides = array<i32>} : memref<2x16384xf32, #tpu.memory_space<vmem>>, vector<16xf32>,
        tpu.vector_store %arg6[%parallel_loop3A_601, %parallel_loop3A_602], %parallel_loop3A_596 {strides = array<i32>} : memref<2x16384xf32, #tpu.memory_space<vmem>>, vector<16xf32>,
        %parallel_loop3A_604 = vector.shape_cast %parallel_loop3A_583 : vector<16xi32> to vector<16x1xi32>
        %parallel_loop3A_605 = vector.shape_cast %parallel_loop3A_604 : vector<16x1xi32> to vector<16xi32>
        %parallel_loop3A_606 = tpu.dynamic_gather %gather3A_15[%parallel_loop3A_605] in [0] : vector<16xf32>, vector<16xi32> -> vector<16xf32>
        %parallel_loop3A_607 = arith.constant 256 : i32
        %parallel_loop3A_608 = arith.addi %parallel_loop3A_247, %parallel_loop3A_607 : i32
        %parallel_loop3A_609 = arith.constant 112 : i32
        %parallel_loop3A_610 = arith.addi %parallel_loop3A_608, %parallel_loop3A_609 : i32
        %parallel_loop3A_611 = arith.index_cast %and3A_65 : i32 to index
        %parallel_loop3A_612 = arith.index_cast %parallel_loop3A_610 : i32 to index
        %parallel_loop3A_613 = tpu.vector_load %arg6[%parallel_loop3A_611, %parallel_loop3A_612] {strides = array<i32>} : memref<2x16384xf32, #tpu.memory_space<vmem>>, vector<16xf32>,
        tpu.vector_store %arg6[%parallel_loop3A_611, %parallel_loop3A_612], %parallel_loop3A_606 {strides = array<i32>} : memref<2x16384xf32, #tpu.memory_space<vmem>>, vector<16xf32>,
        %parallel_loop3A_614 = vector.shape_cast %parallel_loop3A_583 : vector<16xi32> to vector<16x1xi32>
        %parallel_loop3A_615 = vector.shape_cast %parallel_loop3A_614 : vector<16x1xi32> to vector<16xi32>
        %parallel_loop3A_616 = tpu.dynamic_gather %gather3A_19[%parallel_loop3A_615] in [0] : vector<16xf32>, vector<16xi32> -> vector<16xf32>
        %parallel_loop3A_617 = arith.constant 384 : i32
        %parallel_loop3A_618 = arith.addi %parallel_loop3A_247, %parallel_loop3A_617 : i32
        %parallel_loop3A_619 = arith.constant 112 : i32
        %parallel_loop3A_620 = arith.addi %parallel_loop3A_618, %parallel_loop3A_619 : i32
        %parallel_loop3A_621 = arith.index_cast %and3A_65 : i32 to index
        %parallel_loop3A_622 = arith.index_cast %parallel_loop3A_620 : i32 to index
        %parallel_loop3A_623 = tpu.vector_load %arg6[%parallel_loop3A_621, %parallel_loop3A_622] {strides = array<i32>} : memref<2x16384xf32, #tpu.memory_space<vmem>>, vector<16xf32>,
        tpu.vector_store %arg6[%parallel_loop3A_621, %parallel_loop3A_622], %parallel_loop3A_616 {strides = array<i32>} : memref<2x16384xf32, #tpu.memory_space<vmem>>, vector<16xf32>,
      } {sc.loop_unroll_factor = 4 : i64, sc.parallel_access}
      %mul3A_84 = arith.constant 8 : i32
      %mul3A_85 = arith.muli %scan3A_64, %mul3A_84 : i32
      %add3A_86 = arith.constant 0 : i32
      %add3A_87 = arith.addi %mul3A_85, %add3A_86 : i32
      %mul3A_88 = arith.constant 128 : i32
      %mul3A_89 = arith.muli %add3A_87, %mul3A_88 : i32
      %add3A_90 = arith.addi %mul3A_89, %mul3A_2 : i32
      %mul3A_91 = arith.constant 512 : i32
      %mul3A_92 = arith.muli %add3A_90, %mul3A_91 : i32
      %dma_start3A_93 = arith.constant 0 : i32
      %dma_start3A_94 = tpu.memref_slice %arg6[%and3A_65, %dma_start3A_93] : memref<2x16384xf32, #tpu.memory_space<vmem>> -> memref<1x2048xf32, #tpu.memory_space<vmem>>
      %dma_start3A_95 = tpu.memref_squeeze %dma_start3A_94 : memref<1x2048xf32, #tpu.memory_space<vmem>> -> memref<2048xf32, #tpu.memory_space<vmem>>
      %dma_start3A_96 = tpu.memref_slice %arg4[%mul3A_92] : memref<13107200xf32, #tpu.memory_space<hbm>> -> memref<2048xf32, #tpu.memory_space<hbm>>
      %dma_start3A_97 = tpu.memref_slice %arg9[%and3A_65] : memref<2x!tpu.dma_semaphore, #tpu.memory_space<semaphore_mem>> -> memref<1x!tpu.dma_semaphore, #tpu.memory_space<semaphore_mem>>
      %dma_start3A_98 = tpu.memref_squeeze %dma_start3A_97 : memref<1x!tpu.dma_semaphore, #tpu.memory_space<semaphore_mem>> -> memref<!tpu.dma_semaphore, #tpu.memory_space<semaphore_mem>>
      %dma_start3A_99 = tpu.memref_slice %arg4[%mul3A_92] : memref<13107200xf32, #tpu.memory_space<hbm>> -> memref<2048xf32, #tpu.memory_space<hbm>>
      %dma_start3A_100 = arith.constant 0 : i32
      %dma_start3A_101 = tpu.memref_slice %arg6[%and3A_65, %dma_start3A_100] : memref<2x16384xf32, #tpu.memory_space<vmem>> -> memref<1x2048xf32, #tpu.memory_space<vmem>>
      %dma_start3A_102 = tpu.memref_squeeze %dma_start3A_101 : memref<1x2048xf32, #tpu.memory_space<vmem>> -> memref<2048xf32, #tpu.memory_space<vmem>>
      tpu.enqueue_dma source(%dma_start3A_102 : memref<2048xf32, #tpu.memory_space<vmem>>) target(%dma_start3A_99 : memref<2048xf32, #tpu.memory_space<hbm>>) target_semaphore(%dma_start3A_98 : memref<!tpu.dma_semaphore, #tpu.memory_space<semaphore_mem>>)
      %mul3A_103 = arith.constant 8 : i32
      %mul3A_104 = arith.muli %scan3A_64, %mul3A_103 : i32
      %add3A_105 = arith.constant 1 : i32
      %add3A_106 = arith.addi %mul3A_104, %add3A_105 : i32
      %mul3A_107 = arith.constant 128 : i32
      %mul3A_108 = arith.muli %add3A_106, %mul3A_107 : i32
      %add3A_109 = arith.addi %mul3A_108, %mul3A_2 : i32
      %mul3A_110 = arith.constant 512 : i32
      %mul3A_111 = arith.muli %add3A_109, %mul3A_110 : i32
      %dma_start3A_112 = arith.constant 2048 : i32
      %dma_start3A_113 = tpu.memref_slice %arg6[%and3A_65, %dma_start3A_112] : memref<2x16384xf32, #tpu.memory_space<vmem>> -> memref<1x2048xf32, #tpu.memory_space<vmem>>
      %dma_start3A_114 = tpu.memref_squeeze %dma_start3A_113 : memref<1x2048xf32, #tpu.memory_space<vmem>> -> memref<2048xf32, #tpu.memory_space<vmem>>
      %dma_start3A_115 = tpu.memref_slice %arg4[%mul3A_111] : memref<13107200xf32, #tpu.memory_space<hbm>> -> memref<2048xf32, #tpu.memory_space<hbm>>
      %dma_start3A_116 = tpu.memref_slice %arg9[%and3A_65] : memref<2x!tpu.dma_semaphore, #tpu.memory_space<semaphore_mem>> -> memref<1x!tpu.dma_semaphore, #tpu.memory_space<semaphore_mem>>
      %dma_start3A_117 = tpu.memref_squeeze %dma_start3A_116 : memref<1x!tpu.dma_semaphore, #tpu.memory_space<semaphore_mem>> -> memref<!tpu.dma_semaphore, #tpu.memory_space<semaphore_mem>>
      %dma_start3A_118 = tpu.memref_slice %arg4[%mul3A_111] : memref<13107200xf32, #tpu.memory_space<hbm>> -> memref<2048xf32, #tpu.memory_space<hbm>>
      %dma_start3A_119 = arith.constant 2048 : i32
      %dma_start3A_120 = tpu.memref_slice %arg6[%and3A_65, %dma_start3A_119] : memref<2x16384xf32, #tpu.memory_space<vmem>> -> memref<1x2048xf32, #tpu.memory_space<vmem>>
      %dma_start3A_121 = tpu.memref_squeeze %dma_start3A_120 : memref<1x2048xf32, #tpu.memory_space<vmem>> -> memref<2048xf32, #tpu.memory_space<vmem>>
      tpu.enqueue_dma source(%dma_start3A_121 : memref<2048xf32, #tpu.memory_space<vmem>>) target(%dma_start3A_118 : memref<2048xf32, #tpu.memory_space<hbm>>) target_semaphore(%dma_start3A_117 : memref<!tpu.dma_semaphore, #tpu.memory_space<semaphore_mem>>)
      %mul3A_122 = arith.constant 8 : i32
      %mul3A_123 = arith.muli %scan3A_64, %mul3A_122 : i32
      %add3A_124 = arith.constant 2 : i32
      %add3A_125 = arith.addi %mul3A_123, %add3A_124 : i32
      %mul3A_126 = arith.constant 128 : i32
      %mul3A_127 = arith.muli %add3A_125, %mul3A_126 : i32
      %add3A_128 = arith.addi %mul3A_127, %mul3A_2 : i32
      %mul3A_129 = arith.constant 512 : i32
      %mul3A_130 = arith.muli %add3A_128, %mul3A_129 : i32
      %dma_start3A_131 = arith.constant 4096 : i32
      %dma_start3A_132 = tpu.memref_slice %arg6[%and3A_65, %dma_start3A_131] : memref<2x16384xf32, #tpu.memory_space<vmem>> -> memref<1x2048xf32, #tpu.memory_space<vmem>>
      %dma_start3A_133 = tpu.memref_squeeze %dma_start3A_132 : memref<1x2048xf32, #tpu.memory_space<vmem>> -> memref<2048xf32, #tpu.memory_space<vmem>>
      %dma_start3A_134 = tpu.memref_slice %arg4[%mul3A_130] : memref<13107200xf32, #tpu.memory_space<hbm>> -> memref<2048xf32, #tpu.memory_space<hbm>>
      %dma_start3A_135 = tpu.memref_slice %arg9[%and3A_65] : memref<2x!tpu.dma_semaphore, #tpu.memory_space<semaphore_mem>> -> memref<1x!tpu.dma_semaphore, #tpu.memory_space<semaphore_mem>>
      %dma_start3A_136 = tpu.memref_squeeze %dma_start3A_135 : memref<1x!tpu.dma_semaphore, #tpu.memory_space<semaphore_mem>> -> memref<!tpu.dma_semaphore, #tpu.memory_space<semaphore_mem>>
      %dma_start3A_137 = tpu.memref_slice %arg4[%mul3A_130] : memref<13107200xf32, #tpu.memory_space<hbm>> -> memref<2048xf32, #tpu.memory_space<hbm>>
      %dma_start3A_138 = arith.constant 4096 : i32
      %dma_start3A_139 = tpu.memref_slice %arg6[%and3A_65, %dma_start3A_138] : memref<2x16384xf32, #tpu.memory_space<vmem>> -> memref<1x2048xf32, #tpu.memory_space<vmem>>
      %dma_start3A_140 = tpu.memref_squeeze %dma_start3A_139 : memref<1x2048xf32, #tpu.memory_space<vmem>> -> memref<2048xf32, #tpu.memory_space<vmem>>
      tpu.enqueue_dma source(%dma_start3A_140 : memref<2048xf32, #tpu.memory_space<vmem>>) target(%dma_start3A_137 : memref<2048xf32, #tpu.memory_space<hbm>>) target_semaphore(%dma_start3A_136 : memref<!tpu.dma_semaphore, #tpu.memory_space<semaphore_mem>>)
      %mul3A_141 = arith.constant 8 : i32
      %mul3A_142 = arith.muli %scan3A_64, %mul3A_141 : i32
      %add3A_143 = arith.constant 3 : i32
      %add3A_144 = arith.addi %mul3A_142, %add3A_143 : i32
      %mul3A_145 = arith.constant 128 : i32
      %mul3A_146 = arith.muli %add3A_144, %mul3A_145 : i32
      %add3A_147 = arith.addi %mul3A_146, %mul3A_2 : i32
      %mul3A_148 = arith.constant 512 : i32
      %mul3A_149 = arith.muli %add3A_147, %mul3A_148 : i32
      %dma_start3A_150 = arith.constant 6144 : i32
      %dma_start3A_151 = tpu.memref_slice %arg6[%and3A_65, %dma_start3A_150] : memref<2x16384xf32, #tpu.memory_space<vmem>> -> memref<1x2048xf32, #tpu.memory_space<vmem>>
      %dma_start3A_152 = tpu.memref_squeeze %dma_start3A_151 : memref<1x2048xf32, #tpu.memory_space<vmem>> -> memref<2048xf32, #tpu.memory_space<vmem>>
      %dma_start3A_153 = tpu.memref_slice %arg4[%mul3A_149] : memref<13107200xf32, #tpu.memory_space<hbm>> -> memref<2048xf32, #tpu.memory_space<hbm>>
      %dma_start3A_154 = tpu.memref_slice %arg9[%and3A_65] : memref<2x!tpu.dma_semaphore, #tpu.memory_space<semaphore_mem>> -> memref<1x!tpu.dma_semaphore, #tpu.memory_space<semaphore_mem>>
      %dma_start3A_155 = tpu.memref_squeeze %dma_start3A_154 : memref<1x!tpu.dma_semaphore, #tpu.memory_space<semaphore_mem>> -> memref<!tpu.dma_semaphore, #tpu.memory_space<semaphore_mem>>
      %dma_start3A_156 = tpu.memref_slice %arg4[%mul3A_149] : memref<13107200xf32, #tpu.memory_space<hbm>> -> memref<2048xf32, #tpu.memory_space<hbm>>
      %dma_start3A_157 = arith.constant 6144 : i32
      %dma_start3A_158 = tpu.memref_slice %arg6[%and3A_65, %dma_start3A_157] : memref<2x16384xf32, #tpu.memory_space<vmem>> -> memref<1x2048xf32, #tpu.memory_space<vmem>>
      %dma_start3A_159 = tpu.memref_squeeze %dma_start3A_158 : memref<1x2048xf32, #tpu.memory_space<vmem>> -> memref<2048xf32, #tpu.memory_space<vmem>>
      tpu.enqueue_dma source(%dma_start3A_159 : memref<2048xf32, #tpu.memory_space<vmem>>) target(%dma_start3A_156 : memref<2048xf32, #tpu.memory_space<hbm>>) target_semaphore(%dma_start3A_155 : memref<!tpu.dma_semaphore, #tpu.memory_space<semaphore_mem>>)
      %mul3A_160 = arith.constant 8 : i32
      %mul3A_161 = arith.muli %scan3A_64, %mul3A_160 : i32
      %add3A_162 = arith.constant 4 : i32
      %add3A_163 = arith.addi %mul3A_161, %add3A_162 : i32
      %mul3A_164 = arith.constant 128 : i32
      %mul3A_165 = arith.muli %add3A_163, %mul3A_164 : i32
      %add3A_166 = arith.addi %mul3A_165, %mul3A_2 : i32
      %mul3A_167 = arith.constant 512 : i32
      %mul3A_168 = arith.muli %add3A_166, %mul3A_167 : i32
      %dma_start3A_169 = arith.constant 8192 : i32
      %dma_start3A_170 = tpu.memref_slice %arg6[%and3A_65, %dma_start3A_169] : memref<2x16384xf32, #tpu.memory_space<vmem>> -> memref<1x2048xf32, #tpu.memory_space<vmem>>
      %dma_start3A_171 = tpu.memref_squeeze %dma_start3A_170 : memref<1x2048xf32, #tpu.memory_space<vmem>> -> memref<2048xf32, #tpu.memory_space<vmem>>
      %dma_start3A_172 = tpu.memref_slice %arg4[%mul3A_168] : memref<13107200xf32, #tpu.memory_space<hbm>> -> memref<2048xf32, #tpu.memory_space<hbm>>
      %dma_start3A_173 = tpu.memref_slice %arg9[%and3A_65] : memref<2x!tpu.dma_semaphore, #tpu.memory_space<semaphore_mem>> -> memref<1x!tpu.dma_semaphore, #tpu.memory_space<semaphore_mem>>
      %dma_start3A_174 = tpu.memref_squeeze %dma_start3A_173 : memref<1x!tpu.dma_semaphore, #tpu.memory_space<semaphore_mem>> -> memref<!tpu.dma_semaphore, #tpu.memory_space<semaphore_mem>>
      %dma_start3A_175 = tpu.memref_slice %arg4[%mul3A_168] : memref<13107200xf32, #tpu.memory_space<hbm>> -> memref<2048xf32, #tpu.memory_space<hbm>>
      %dma_start3A_176 = arith.constant 8192 : i32
      %dma_start3A_177 = tpu.memref_slice %arg6[%and3A_65, %dma_start3A_176] : memref<2x16384xf32, #tpu.memory_space<vmem>> -> memref<1x2048xf32, #tpu.memory_space<vmem>>
      %dma_start3A_178 = tpu.memref_squeeze %dma_start3A_177 : memref<1x2048xf32, #tpu.memory_space<vmem>> -> memref<2048xf32, #tpu.memory_space<vmem>>
      tpu.enqueue_dma source(%dma_start3A_178 : memref<2048xf32, #tpu.memory_space<vmem>>) target(%dma_start3A_175 : memref<2048xf32, #tpu.memory_space<hbm>>) target_semaphore(%dma_start3A_174 : memref<!tpu.dma_semaphore, #tpu.memory_space<semaphore_mem>>)
      %mul3A_179 = arith.constant 8 : i32
      %mul3A_180 = arith.muli %scan3A_64, %mul3A_179 : i32
      %add3A_181 = arith.constant 5 : i32
      %add3A_182 = arith.addi %mul3A_180, %add3A_181 : i32
      %mul3A_183 = arith.constant 128 : i32
      %mul3A_184 = arith.muli %add3A_182, %mul3A_183 : i32
      %add3A_185 = arith.addi %mul3A_184, %mul3A_2 : i32
      %mul3A_186 = arith.constant 512 : i32
      %mul3A_187 = arith.muli %add3A_185, %mul3A_186 : i32
      %dma_start3A_188 = arith.constant 10240 : i32
      %dma_start3A_189 = tpu.memref_slice %arg6[%and3A_65, %dma_start3A_188] : memref<2x16384xf32, #tpu.memory_space<vmem>> -> memref<1x2048xf32, #tpu.memory_space<vmem>>
      %dma_start3A_190 = tpu.memref_squeeze %dma_start3A_189 : memref<1x2048xf32, #tpu.memory_space<vmem>> -> memref<2048xf32, #tpu.memory_space<vmem>>
      %dma_start3A_191 = tpu.memref_slice %arg4[%mul3A_187] : memref<13107200xf32, #tpu.memory_space<hbm>> -> memref<2048xf32, #tpu.memory_space<hbm>>
      %dma_start3A_192 = tpu.memref_slice %arg9[%and3A_65] : memref<2x!tpu.dma_semaphore, #tpu.memory_space<semaphore_mem>> -> memref<1x!tpu.dma_semaphore, #tpu.memory_space<semaphore_mem>>
      %dma_start3A_193 = tpu.memref_squeeze %dma_start3A_192 : memref<1x!tpu.dma_semaphore, #tpu.memory_space<semaphore_mem>> -> memref<!tpu.dma_semaphore, #tpu.memory_space<semaphore_mem>>
      %dma_start3A_194 = tpu.memref_slice %arg4[%mul3A_187] : memref<13107200xf32, #tpu.memory_space<hbm>> -> memref<2048xf32, #tpu.memory_space<hbm>>
      %dma_start3A_195 = arith.constant 10240 : i32
      %dma_start3A_196 = tpu.memref_slice %arg6[%and3A_65, %dma_start3A_195] : memref<2x16384xf32, #tpu.memory_space<vmem>> -> memref<1x2048xf32, #tpu.memory_space<vmem>>
      %dma_start3A_197 = tpu.memref_squeeze %dma_start3A_196 : memref<1x2048xf32, #tpu.memory_space<vmem>> -> memref<2048xf32, #tpu.memory_space<vmem>>
      tpu.enqueue_dma source(%dma_start3A_197 : memref<2048xf32, #tpu.memory_space<vmem>>) target(%dma_start3A_194 : memref<2048xf32, #tpu.memory_space<hbm>>) target_semaphore(%dma_start3A_193 : memref<!tpu.dma_semaphore, #tpu.memory_space<semaphore_mem>>)
      %mul3A_198 = arith.constant 8 : i32
      %mul3A_199 = arith.muli %scan3A_64, %mul3A_198 : i32
      %add3A_200 = arith.constant 6 : i32
      %add3A_201 = arith.addi %mul3A_199, %add3A_200 : i32
      %mul3A_202 = arith.constant 128 : i32
      %mul3A_203 = arith.muli %add3A_201, %mul3A_202 : i32
      %add3A_204 = arith.addi %mul3A_203, %mul3A_2 : i32
      %mul3A_205 = arith.constant 512 : i32
      %mul3A_206 = arith.muli %add3A_204, %mul3A_205 : i32
      %dma_start3A_207 = arith.constant 12288 : i32
      %dma_start3A_208 = tpu.memref_slice %arg6[%and3A_65, %dma_start3A_207] : memref<2x16384xf32, #tpu.memory_space<vmem>> -> memref<1x2048xf32, #tpu.memory_space<vmem>>
      %dma_start3A_209 = tpu.memref_squeeze %dma_start3A_208 : memref<1x2048xf32, #tpu.memory_space<vmem>> -> memref<2048xf32, #tpu.memory_space<vmem>>
      %dma_start3A_210 = tpu.memref_slice %arg4[%mul3A_206] : memref<13107200xf32, #tpu.memory_space<hbm>> -> memref<2048xf32, #tpu.memory_space<hbm>>
      %dma_start3A_211 = tpu.memref_slice %arg9[%and3A_65] : memref<2x!tpu.dma_semaphore, #tpu.memory_space<semaphore_mem>> -> memref<1x!tpu.dma_semaphore, #tpu.memory_space<semaphore_mem>>
      %dma_start3A_212 = tpu.memref_squeeze %dma_start3A_211 : memref<1x!tpu.dma_semaphore, #tpu.memory_space<semaphore_mem>> -> memref<!tpu.dma_semaphore, #tpu.memory_space<semaphore_mem>>
      %dma_start3A_213 = tpu.memref_slice %arg4[%mul3A_206] : memref<13107200xf32, #tpu.memory_space<hbm>> -> memref<2048xf32, #tpu.memory_space<hbm>>
      %dma_start3A_214 = arith.constant 12288 : i32
      %dma_start3A_215 = tpu.memref_slice %arg6[%and3A_65, %dma_start3A_214] : memref<2x16384xf32, #tpu.memory_space<vmem>> -> memref<1x2048xf32, #tpu.memory_space<vmem>>
      %dma_start3A_216 = tpu.memref_squeeze %dma_start3A_215 : memref<1x2048xf32, #tpu.memory_space<vmem>> -> memref<2048xf32, #tpu.memory_space<vmem>>
      tpu.enqueue_dma source(%dma_start3A_216 : memref<2048xf32, #tpu.memory_space<vmem>>) target(%dma_start3A_213 : memref<2048xf32, #tpu.memory_space<hbm>>) target_semaphore(%dma_start3A_212 : memref<!tpu.dma_semaphore, #tpu.memory_space<semaphore_mem>>)
      %mul3A_217 = arith.constant 8 : i32
      %mul3A_218 = arith.muli %scan3A_64, %mul3A_217 : i32
      %add3A_219 = arith.constant 7 : i32
      %add3A_220 = arith.addi %mul3A_218, %add3A_219 : i32
      %mul3A_221 = arith.constant 128 : i32
      %mul3A_222 = arith.muli %add3A_220, %mul3A_221 : i32
      %add3A_223 = arith.addi %mul3A_222, %mul3A_2 : i32
      %mul3A_224 = arith.constant 512 : i32
      %mul3A_225 = arith.muli %add3A_223, %mul3A_224 : i32
      %dma_start3A_226 = arith.constant 14336 : i32
      %dma_start3A_227 = tpu.memref_slice %arg6[%and3A_65, %dma_start3A_226] : memref<2x16384xf32, #tpu.memory_space<vmem>> -> memref<1x2048xf32, #tpu.memory_space<vmem>>
      %dma_start3A_228 = tpu.memref_squeeze %dma_start3A_227 : memref<1x2048xf32, #tpu.memory_space<vmem>> -> memref<2048xf32, #tpu.memory_space<vmem>>
      %dma_start3A_229 = tpu.memref_slice %arg4[%mul3A_225] : memref<13107200xf32, #tpu.memory_space<hbm>> -> memref<2048xf32, #tpu.memory_space<hbm>>
      %dma_start3A_230 = tpu.memref_slice %arg9[%and3A_65] : memref<2x!tpu.dma_semaphore, #tpu.memory_space<semaphore_mem>> -> memref<1x!tpu.dma_semaphore, #tpu.memory_space<semaphore_mem>>
      %dma_start3A_231 = tpu.memref_squeeze %dma_start3A_230 : memref<1x!tpu.dma_semaphore, #tpu.memory_space<semaphore_mem>> -> memref<!tpu.dma_semaphore, #tpu.memory_space<semaphore_mem>>
      %dma_start3A_232 = tpu.memref_slice %arg4[%mul3A_225] : memref<13107200xf32, #tpu.memory_space<hbm>> -> memref<2048xf32, #tpu.memory_space<hbm>>
      %dma_start3A_233 = arith.constant 14336 : i32
      %dma_start3A_234 = tpu.memref_slice %arg6[%and3A_65, %dma_start3A_233] : memref<2x16384xf32, #tpu.memory_space<vmem>> -> memref<1x2048xf32, #tpu.memory_space<vmem>>
      %dma_start3A_235 = tpu.memref_squeeze %dma_start3A_234 : memref<1x2048xf32, #tpu.memory_space<vmem>> -> memref<2048xf32, #tpu.memory_space<vmem>>
      tpu.enqueue_dma source(%dma_start3A_235 : memref<2048xf32, #tpu.memory_space<vmem>>) target(%dma_start3A_232 : memref<2048xf32, #tpu.memory_space<hbm>>) target_semaphore(%dma_start3A_231 : memref<!tpu.dma_semaphore, #tpu.memory_space<semaphore_mem>>)
    }
    %scan3A_36 = arith.constant 25 : i32
    %dma_wait3A = arith.constant 1 : i32
    %dma_wait3A_37 = arith.constant 1 : i32
    %dma_wait3A_38 = arith.constant 0 : i32
    %dma_wait3A_39 = tpu.memref_slice %arg6[%dma_wait3A, %dma_wait3A_38] : memref<2x16384xf32, #tpu.memory_space<vmem>> -> memref<1x16384xf32, #tpu.memory_space<vmem>>
    %dma_wait3A_40 = tpu.memref_squeeze %dma_wait3A_39 : memref<1x16384xf32, #tpu.memory_space<vmem>> -> memref<16384xf32, #tpu.memory_space<vmem>>
    %dma_wait3A_41 = arith.constant 0 : i32
    %dma_wait3A_42 = tpu.memref_slice %arg4[%dma_wait3A_41] : memref<13107200xf32, #tpu.memory_space<hbm>> -> memref<16384xf32, #tpu.memory_space<hbm>>
    %dma_wait3A_43 = tpu.memref_slice %arg9[%dma_wait3A_37] : memref<2x!tpu.dma_semaphore, #tpu.memory_space<semaphore_mem>> -> memref<1x!tpu.dma_semaphore, #tpu.memory_space<semaphore_mem>>
    %dma_wait3A_44 = tpu.memref_squeeze %dma_wait3A_43 : memref<1x!tpu.dma_semaphore, #tpu.memory_space<semaphore_mem>> -> memref<!tpu.dma_semaphore, #tpu.memory_space<semaphore_mem>>
    %dma_wait3A_45 = arith.constant 0 : i32
    %dma_wait3A_46 = tpu.memref_slice %arg4[%dma_wait3A_45] : memref<13107200xf32, #tpu.memory_space<hbm>> -> memref<16384xf32, #tpu.memory_space<hbm>>
    %dma_wait3A_47 = arith.constant 0 : i32
    %dma_wait3A_48 = tpu.memref_slice %arg6[%dma_wait3A, %dma_wait3A_47] : memref<2x16384xf32, #tpu.memory_space<vmem>> -> memref<1x16384xf32, #tpu.memory_space<vmem>>
    %dma_wait3A_49 = tpu.memref_squeeze %dma_wait3A_48 : memref<1x16384xf32, #tpu.memory_space<vmem>> -> memref<16384xf32, #tpu.memory_space<vmem>>
    tpu.wait_dma2 semaphore(%dma_wait3A_44 : memref<!tpu.dma_semaphore, #tpu.memory_space<semaphore_mem>>) src(%dma_wait3A_49 : memref<16384xf32, #tpu.memory_space<vmem>>) dst(%dma_wait3A_46 : memref<16384xf32, #tpu.memory_space<hbm>>)
    %dma_wait3A_50 = arith.constant 0 : i32
    %dma_wait3A_51 = arith.constant 0 : i32
    %dma_wait3A_52 = arith.constant 0 : i32
    %dma_wait3A_53 = tpu.memref_slice %arg6[%dma_wait3A_50, %dma_wait3A_52] : memref<2x16384xf32, #tpu.memory_space<vmem>> -> memref<1x16384xf32, #tpu.memory_space<vmem>>
    %dma_wait3A_54 = tpu.memref_squeeze %dma_wait3A_53 : memref<1x16384xf32, #tpu.memory_space<vmem>> -> memref<16384xf32, #tpu.memory_space<vmem>>
    %dma_wait3A_55 = arith.constant 0 : i32
    %dma_wait3A_56 = tpu.memref_slice %arg4[%dma_wait3A_55] : memref<13107200xf32, #tpu.memory_space<hbm>> -> memref<16384xf32, #tpu.memory_space<hbm>>
    %dma_wait3A_57 = tpu.memref_slice %arg9[%dma_wait3A_51] : memref<2x!tpu.dma_semaphore, #tpu.memory_space<semaphore_mem>> -> memref<1x!tpu.dma_semaphore, #tpu.memory_space<semaphore_mem>>
    %dma_wait3A_58 = tpu.memref_squeeze %dma_wait3A_57 : memref<1x!tpu.dma_semaphore, #tpu.memory_space<semaphore_mem>> -> memref<!tpu.dma_semaphore, #tpu.memory_space<semaphore_mem>>
    %dma_wait3A_59 = arith.constant 0 : i32
    %dma_wait3A_60 = tpu.memref_slice %arg4[%dma_wait3A_59] : memref<13107200xf32, #tpu.memory_space<hbm>> -> memref<16384xf32, #tpu.memory_space<hbm>>
    %dma_wait3A_61 = arith.constant 0 : i32
    %dma_wait3A_62 = tpu.memref_slice %arg6[%dma_wait3A_50, %dma_wait3A_61] : memref<2x16384xf32, #tpu.memory_space<vmem>> -> memref<1x16384xf32, #tpu.memory_space<vmem>>
    %dma_wait3A_63 = tpu.memref_squeeze %dma_wait3A_62 : memref<1x16384xf32, #tpu.memory_space<vmem>> -> memref<16384xf32, #tpu.memory_space<vmem>>
    tpu.wait_dma2 semaphore(%dma_wait3A_58 : memref<!tpu.dma_semaphore, #tpu.memory_space<semaphore_mem>>) src(%dma_wait3A_63 : memref<16384xf32, #tpu.memory_space<vmem>>) dst(%dma_wait3A_60 : memref<16384xf32, #tpu.memory_space<hbm>>)
    return
  }
}

</mosaic_0001>

<sc_bundles>
// kernel: _emb_call.3.cloned.1.call-start
scs
__scs_entry_jumppad:
0x0: {  	(pc) =	sbr.rel $0x88, $3  }
0x1: {  	(tag) =	ssettag $0x0;
	lr =	simm.s32 $0x1  }
0x2: {  	[smem:$0x3F9F] =	sst lr;
	_ =	strace $0xD0000000  }
0x3: {  	_ = 	snop  }
0x4: {  	_ = 	snop  }
0x5: {  	_ = 	snop  }
0x6: {  	_ = 	snop  }
0x7: {  	_ = 	snop  }
__scs_overlays_trampoline_lowered:
0x8: {  	[smem:$0x3FAE] =	sst s0  }
0x9: {  	[smem:$0x3FAF] =	sst s1  }
0xa: {  	[smem:$0x3FB0] =	sst s2  }
0xb: {  	[smem:$0x3FB1] =	sst s3  }
0xc: {  	[smem:$0x3FB2] =	sst s4  }
0xd: {  	[smem:$0x3FB3] =	sst s5  }
0xe: {  	[smem:$0x3FB4] =	sst s6  }
0xf: {  	[smem:$0x3FB5] =	sst s7  }
0x10: {  	[smem:$0x3FB6] =	sst s8  }
0x11: {  	[smem:$0x3FB7] =	sst s9;
	s0 =	simm.s32 @!p0 $0x0  }
0x12: {  	s1 =	sld [smem:$0x3F9D];
	s0 =	simm.s32 @p0 $0x1  }
0x13: {  	[smem:$0x3FB8] =	sst s0;
	s0 =	simm.s32 @!p1 $0x0  }
0x14: {  	s2 =	sld [smem:$0x3F9C];
	s0 =	simm.s32 @p1 $0x1  }
0x15: {  	[smem:$0x3FB9] =	sst s0;
	s0 =	simm.s32 @!p2 $0x0  }
0x16: {  	s3 =	sld [smem:$0x3FDB];
	s0 =	simm.s32 @p2 $0x1  }
0x17: {  	s4 =	simm.s32 $0x1BF5;
	[smem:$0x3FBB] =	sst s0  }
0x18: {  	s0 =	sld [smem:$0x3F9E];
	_ =	swait.ge [sflag:s4], $0x0  }
0x19: {  	s7 =	sld [smem:$0x3F9F]  }
0x1a: {  	s8 =	sadd.s32 $0xFFFFE003, lr  }
0x1b: {  	s9 =	sadd.s32 $0xFFFFFEF7, lr;
	s5 =	simm.s32 $0xFFFFFFFF;
	p2 =	slt.u32 s8, $0xFFFFF086  }
0x1c: {  	p1 =	slt.u32 s9, $0xF7A;
	s5 =	simm.s32 @!p2 $0x0  }
0x1d: {  	s5 =	simm.s32 @p1 $0x1;
	p0 =	seq.s32 s7, s2  }
0x1e: {  	s7 =	smul.u32 @!p0 $0xF7A, s2;
	p2 =	seq.s32 @!p0 s5, $0x0  }
0x1f: {  	s9 =	smul.u32 $0xF7A, s1;
	s8 =	simm.s32 @!p0 $0x1BF5;
	p2 =	por !p2, p0  }
0x20: {  	[sflag:s8] =	ssyncset.s32 @!p0 $0xFFFFF086;
	s6 =	sadd.s32 @!p0 s3, s7;
	s7 =	simm.s32 @!p0 $0x108  }
0x21: {  	s3 =	sadd.s32 s3, s9;
	s6 =	sadd.s32 @!p0 $0x88, s6;
	s7 =	simm.s32 @p2 $0x1082  }
0x22: {  	[simem:s7], [sflag:s8] =	dma.local @!p0 [hbm:s6], $0xF7A  }
0x23: {  	s9 =	sor.u32 $0xD0000000, s2;
	s6 =	simm.s32 $0x108;
	_ =	swait.ge @!p0 [sflag:s8], $0x0  }
0x24: {  	s3 =	sadd.s32 $0x88, s3;
	s6 =	simm.s32 @!p1 $0x1082;
	[sflag:s4] =	ssyncset.s32 $0xFFFFF086  }
0x25: {  	[simem:s6], [sflag:s4] =	dma.local [hbm:s3], $0xF7A  }
0x26: {  	[smem:$0x3F9F] =	sst s1;
	(tag) =	ssettag s2;
	_ =	strace s9  }
0x27: {  	s1 =	sld [smem:$0x3FAF]  }
0x28: {  	s2 =	sld [smem:$0x3FB0]  }
0x29: {  	s4 =	sld [smem:$0x3FB2]  }
0x2a: {  	p0 =	seq.s32 s5, $0x0;
	s5 =	sld [smem:$0x3FB3]  }
0x2b: {  	s6 =	sld [smem:$0x3FB4]  }
0x2c: {  	s7 =	sld [smem:$0x3FB5]  }
0x2d: {  	s3 =	simm.s32 $0x108;
	s8 =	sld [smem:$0x3FB6]  }
0x2e: {  	s3 =	simm.s32 @!p0 $0x1082;
	s9 =	sld [smem:$0x3FB7]  }
0x2f: {  	lr =	sadd.s32 s0, s3;
	s0 =	sld [smem:$0x3FAE]  }
0x30: {  	s3 =	sld [smem:$0x3FB1]  }
0x31: {  	[smem:$0x3FBA] =	sst s10  }
0x32: {  	s10 =	sld [smem:$0x3FB8];
	_ =	sdelay $0x3  }
0x33: {  	p0 =	seq.s32 s10, $0x1;
	s10 =	sld [smem:$0x3FBA];
	_ =	sdelay $0x3  }
0x34: {  	[smem:$0x3FBA] =	sst s10  }
0x35: {  	s10 =	sld [smem:$0x3FB9];
	_ =	sdelay $0x3  }
0x36: {  	p1 =	seq.s32 s10, $0x1;
	s10 =	sld [smem:$0x3FBA];
	_ =	sdelay $0x3  }
0x37: {  	[smem:$0x3FBA] =	sst s10  }
0x38: {  	s10 =	sld [smem:$0x3FBB]  }
0x39: {  	_ = 	snop;
	(pc) =	sbr.ind lr, $3  }
0x3a: {  	_ = 	snop  }
0x3b: {  	_ = 	snop  }
0x3c: {  	p2 =	seq.s32 s10, $0x1;
	s10 =	sld [smem:$0x3FBA]  }
0x3d: {  	_ =	shalt  }
0x3e: {  	_ =	shalt  }
0x3f: {  	_ =	shalt  }
0x40: {  	_ =	shalt  }
0x41: {  	_ =	shalt  }
0x42: {  	_ =	shalt  }
0x43: {  	_ =	shalt  }
0x44: {  	_ =	shalt  }
0x45: {  	_ =	shalt  }
0x46: {  	_ =	shalt  }
0x47: {  	_ =	shalt  }
0x48: {  	_ =	shalt  }
0x49: {  	_ =	shalt  }
0x4a: {  	_ =	shalt  }
0x4b: {  	_ =	shalt  }
0x4c: {  	_ =	shalt  }
0x4d: {  	_ =	shalt  }
0x4e: {  	_ =	shalt  }
0x4f: {  	_ =	shalt  }
0x50: {  	_ =	shalt  }
0x51: {  	_ =	shalt  }
0x52: {  	_ =	shalt  }
0x53: {  	_ =	shalt  }
0x54: {  	_ =	shalt  }
0x55: {  	_ =	shalt  }
0x56: {  	_ =	shalt  }
0x57: {  	_ =	shalt  }
0x58: {  	_ =	shalt  }
0x59: {  	_ =	shalt  }
0x5a: {  	_ =	shalt  }
0x5b: {  	_ =	shalt  }
0x5c: {  	_ =	shalt  }
0x5d: {  	_ =	shalt  }
0x5e: {  	_ =	shalt  }
0x5f: {  	_ =	shalt  }
0x60: {  	_ =	shalt  }
0x61: {  	_ =	shalt  }
0x62: {  	_ =	shalt  }
0x63: {  	_ =	shalt  }
0x64: {  	_ =	shalt  }
0x65: {  	_ =	shalt  }
0x66: {  	_ =	shalt  }
0x67: {  	_ =	shalt  }
0x68: {  	_ =	shalt  }
0x69: {  	_ =	shalt  }
0x6a: {  	_ =	shalt  }
0x6b: {  	_ =	shalt  }
0x6c: {  	_ =	shalt  }
0x6d: {  	_ =	shalt  }
0x6e: {  	_ =	shalt  }
0x6f: {  	_ =	shalt  }
0x70: {  	_ =	shalt  }
0x71: {  	_ =	shalt  }
0x72: {  	_ =	shalt  }
0x73: {  	_ =	shalt  }
0x74: {  	_ =	shalt  }
0x75: {  	_ =	shalt  }
0x76: {  	_ =	shalt  }
0x77: {  	_ =	shalt  }
0x78: {  	_ =	shalt  }
0x79: {  	_ =	shalt  }
0x7a: {  	_ =	shalt  }
0x7b: {  	_ =	shalt  }
0x7c: {  	_ =	shalt  }
0x7d: {  	_ =	shalt  }
0x7e: {  	_ =	shalt  }
0x7f: {  	_ =	shalt  }
0x80: {  	_ =	shalt  }
0x81: {  	_ =	shalt  }
0x82: {  	_ =	shalt  }
0x83: {  	_ =	shalt  }
0x84: {  	_ =	shalt  }
0x85: {  	_ =	shalt  }
0x86: {  	_ =	shalt  }
0x87: {  	_ =	shalt  }
.Lfunc_end0:
.L_simem_size_0:
called_computation_lowered:
.L_overlay_start_0:
0x88: {  	s2 =	sld [smem:$0x3FD9]  }
0x89: {  	s3 =	sld [smem:$0x3FFE];
	_ =	sdelay $0x1  }
0x8a: {  	s1 =	srdreg.scid  }
0x8b: {  	s0 =	sand.u32 $0x1, s1  }
0x8c: {  	s18 =	sshll.u32 s0, $0xA;
	s2 =	sadd.s32 s3, s2  }
0x8d: {  	s2 =	sadd.s32 s2, s18  }
0x8e: {  	[smem:$0x3FC6] =	sst s2  }
0x8f: {  	_ = 	snop  }
0x90: {  	s2 =	sld [smem:$0x3FC9]  }
0x91: {  	s19 =	sld [smem:$0x3FC8]  }
0x92: {  	s4 =	sld [smem:$0x3FD0];
	(tm) =	ssettm $0x1  }
0x93: {  	s5 =	sld [smem:$0x3FFB];
	_ =	sdelay $0x3  }
0x94: {  	_ =	strace s5  }
0x95: {  	s5 =	sld [smem:$0x3FFC];
	_ =	sdelay $0x3  }
0x96: {  	_ =	strace s5  }
0x97: {  	s5 =	sld [smem:$0x3FFD];
	_ =	sdelay $0x3  }
0x98: {  	_ =	strace s5  }
0x99: {  	_ =	strace $0x8FFFFFFF  }
0x9a: {  	s20 =	sld [smem:$0x3FDB];
	_ =	sdelay $0x1  }
0x9b: {  	s6 =	simm.s32 $_scs_section_size  }
0x9c: {  	s7 =	simm.s32 $_size__tile_overlayer_lowered;
	s8 =	simm.s32 $_tile_overlayer_lowered  }
0x9d: {  	s23 =	simm.s32 $0x1BFF;
	s22 =	sshll.u32 s8, $0x1;
	s5 =	sadd.s32 s6, s20  }
0x9e: {  	s9 =	simm.s32 $0x0;
	s21 =	sshll.u32 s7, $0x1;
	s7 =	sadd.s32 s22, s5  }
0x9f: {  	[timem:s9], [sflag:s23] =	dma.local [hbm:s7], s21  }
0xa0: {  	_ =	swait.ge [sflag:s23], s21  }
0xa1: {  	s6 =	ssub.s32 $0x0, s21;
	[sflag:s23] =	ssyncset.done $0x0  }
0xa2: {  	[sflag:s23] =	ssyncadd.s32 s6;
	_ =	sdelay $0x1  }
0xa3: {  	s24 =	simm.s32 $0x1B8B  }
0xa4: {  	_ =	swait.ge [sflag:s24], $0x1  }
0xa5: {  	[sflag:s24] =	ssyncset.done $0x0  }
0xa6: {  	s25 =	simm.s32 $0x1B8E;
	[sflag:s24] =	ssyncadd.s32 $0xFFFFFFFF  }
0xa7: {  	s26 =	simm.s32 $execute0_lowered;
	[smem:$0x3FD2] =	sst s25  }
0xa8: {  	s6 =	sshll.u32 s26, $0x1;
	_ =	strace $0x80000046;
	[dreg:$0x1] =	wrdreg $0xFFFFFFFF  }
0xa9: {  	s28 =	simm.s32 $_size_execute0_lowered;
	s5 =	sadd.s32 s5, s6;
	[dreg:$0x0] =	wrdreg $0x0  }
0xaa: {  	s6 =	sshll.u32 s28, $0x1;
	[dreg:$0x2] =	wrdreg s5  }
0xab: {  	[dreg:$0x3] =	wrdreg s6  }
0xac: {  	[dreg:$0x4] =	wrdreg $0xC0  }
0xad: {  	_ =	task [dreg:s9], $0x5FFFF  }
0xae: {  	[dreg:$0x1] =	wrdreg $0xFFFFFFFF  }
0xaf: {  	[dreg:$0x0] =	wrdreg $0x60  }
0xb0: {  	[dreg:$0x2] =	wrdreg s2  }
0xb1: {  	[dreg:$0x3] =	wrdreg s19  }
0xb2: {  	[dreg:$0x4] =	wrdreg s4  }
0xb3: {  	[dreg:$0x5] =	wrdreg $0x9  }
0xb4: {  	_ =	task.clear_ibuf [dreg:s9], $0x6FFFF;
	_ =	strace $0x90000046  }
0xb5: {  	s29 =	simm.s32 $0x9;
	_ =	strace $0x80000048  }
0xb6: {  	_ =	swait.ge [sflag:s29], $0x1  }
0xb7: {  	[sflag:s29] =	ssyncadd.s32 $0xFFFFFFFF  }
0xb8: {  	_ =	strace $0x90000048  }
0xb9: {  	_ =	sfence  }
0xba: {  	s30 =	sld [smem:$0x0];
	_ =	sdelay $0x2  }
0xbb: {  	s31 =	sshll.u32 s1, $0xD;
	s1 =	sshrl.u32 s1, $0x2  }
0xbc: {  	s3 =	sand.u32 $0x4000, s31;
	s1 =	sadd.s32 s1, s30  }
0xbd: {  	s0 =	sor.u32 s3, s0;
	s1 =	sshll.u32 s1, $0x11  }
0xbe: {  	s0 =	sor.u32 s1, s0  }
0xbf: {  	s0 =	sadd.s32 $0x8F2B, s0  }
0xc0: {  	[sflag:s0] =	ssyncadd.remote.s32 $0x1  }
0xc1: {  	_ =	sfence.sel $0xFFFF  }
0xc2: {  	[dreg:$0x0] =	wrdreg $0xFFFFFFFF;
	(pc) =	sbr.abs _section_cstart, $3  }
0xc3: {  	[dreg:$0x1] =	wrdreg $0xFFFFFFFF  }
0xc4: {  	_ =	task.clear_ibuf [dreg:s9], $0x2FFFF;
	_ =	strace $0x9FFFFFFF  }
0xc5: {  	(tm) =	ssettm $0x7FFFFFFF  }
tec
execute0_lowered:
.L_overlay_start_1:
0x0: {  	(tag) =	ssettag $0x1  }
0x1: {  	v0 =	vimm.s32 $0x76543210  }
0x2: {  	s0 =	rddreg [dreg:$0x0];
	s1 =	srdreg.scid;
	v1 =	vimm.s32 $0x17161514;
	v2 =	vimm.s32 $0xFEDCBA;
	v3 =	vimm.s32 $0x1B1A1918  }
0x3: {  	s2 =	stileid.u32;
	s3 =	rddreg [dreg:$0x2];
	vm0 =	vcmask $0xF00;
	vm1 =	vcmask $0x1F10;
	v1 =	vunpack.c.0.s8.s32 v1  }
0x4: {  	s4 =	simm.s32 $0x0;
	v4 =	vimm.s32 $0x21201F1E;
	vm2 =	vcmask $0x1F00;
	s16 =	simm.s32 $0xA000;
	s18 =	simm.s32 $0x1;
	v3 =	vunpack.c.0.s8.s32 v3  }
0x5: {  	s19 =	simm.s32 $0x3;
	s20 =	simm.s32 $0x2;
	s21 =	simm.s32 $0x0;
	v0 =	vunpack.c.l.s4.s8 v0;
	v2 =	vunpack.c.l.s4.s8 v2;
	v1 =	vnsel vm0, $0x1D, v1  }
0x6: {  	s1 =	sand.u32 $0x1, s1;
	s2 =	sshll.u32 s2, $0x1;
	[smem:$0x7FF] =	sst s4;
	v3 =	vsel vm1, v3, v1;
	v1 =	vunpack.c.0.s8.s32 v4;
	v4 =	vimm.s32 $0x25242322  }
0x7: {  	vm13 =	vcmask $0x2320;
	s8 =	sadd.s32 $0x2000, s3;
	s9 =	sadd.s32 $0x4000, s3;
	s10 =	sadd.s32 $0x6000, s3;
	v0 =	vunpack.c.0.s8.s32 v0;
	v4 =	vunpack.c.0.s8.s32 v4  }
0x8: {  	vm14 =	vcmask $0x1700;
	s11 =	sadd.s32 $0x8000, s3;
	s2 =	sor.u32 s1, s2;
	s1 =	ssub.s32 $0x2, s1;
	v2 =	vunpack.c.0.s8.s32 v2;
	v1 =	vnsel vm0, $0x27, v1  }
0x9: {  	s12 =	sadd.s32 $0xA000, s3;
	s13 =	sadd.s32 $0xC000, s3;
	s6 =	sshrl.u32 s1, $0x1;
	v0 =	vand.u32 $0xF, v0;
	v4 =	vsel vm1, v4, v1;
	v1 =	vimm.s32 $0x11101312  }
0xa: {  	s14 =	sadd.s32 $0xE000, s3;
	s5 =	sshll.u32 s2, $0x9;
	s31 =	ssub.s32 s1, s6;
	v2 =	vand.u32 $0xF, v2;
	v0 =	vnsel vm2, $0x9, v0;
	v1 =	vunpack.c.0.s8.s32 v1  }
0xb: {  	vm15 =	vcmask $0x2718;
	_ =	strace $0x80000047;
	s5 =	sadd.s32 s0, s5;
	s0 =	smax.u32 s31, $0x1;
	v2 =	vnsel vm14, $0x13, v2;
	v0 =	vsel vm13, $0x8, v0  }
0xc: {  	s7 =	sshll.u32 s2, $0x8;
	s6 =	sadd.s32 $0x4000, s5;
	[dreg:$0x4] =	wrdreg s0;
	v1 =	vsel vm15, v1, v2;
	v2 =	vsel vm13, $0x1C, v3;
	v3 =	vsel vm13, $0x26, v4  }
.LBB2_1:
0xd: {  	s0 =	rddreg [dreg:$0x1];
	s31 =	simm.s32 $0x4  }
0xe: {  	[tilespmem:s16], [sflag:$0x4] =	stream.linear.gather [hbm4b:s0+s4], $0x80, $0x38;
	[tilespmem:$0xA080] =	vst v63  }
0xf: {  	_ =	swait.ge [sflag:s31], $0x80  }
0x10: {  	[sflag:s31] =	ssyncset.done $0x0  }
0x11: {  	[sflag:s31] =	ssyncadd.s32 $0xFFFFFF80  }
0x12: {  	v4 =	vld.idx.msk [tilespmem:v0+s16+$0x0], $0xffff  }
0x13: {  	v5 =	vld.idx.msk [tilespmem:v1+s16+$0x0], $0xffff  }
0x14: {  	v6 =	vld.idx.msk [tilespmem:v2+s16+$0x0], $0xffff  }
0x15: {  	s1 =	simm.s32 $0x0;
	s0 =	simm.s32 $0x0;
	v7 =	vld.idx.msk [tilespmem:v3+s16+$0x0], $0xffff  }
.LBB2_2:
0x16: {  	p0 =	sne.s32 s1, $0x1F0  }
.Ltmp0:
0x17: {  	_ = 	snop;
	(pc) =	sbr.rel @p0 .LBB2_2-.Ltmp0, $4  }
0x18: {  	_ = 	snop  }
0x19: {  	s2 =	sadd.s32 s1, s5;
	s22 =	simm.s32 $0x0  }
0x1a: {  	[tilespmem:s0], [sflag:$0x1] =	stream.linear.gather [hbm4b:s2+s22], $0x80, $0x38;
	[tilespmem:$0xA080] =	vst v63  }
0x1b: {  	s1 =	sadd.s32 $0x10, s1;
	s0 =	sadd.s32 $0x100, s0  }
0x1c: {  	p0 =	por $0x0, $0x0  }
.LBB2_4:
0x1d: {  	p1 =	seq.s32 s22, $0x18  }
.Ltmp1:
0x1e: {  	_ = 	snop;
	(pc) =	sbr.rel @p1 .LBB2_8-.Ltmp1, $4  }
0x1f: {  	_ = 	snop  }
0x20: {  	_ =	swait.ge [sflag:s18], $0x1000  }
0x21: {  	s24 =	sand.u32 $0x1, s22;
	[sflag:s18] =	ssyncset.done $0x0  }
0x22: {  	s23 =	sshll.u32 s24, $0x7;
	[sflag:s18] =	ssyncadd.s32 $0xFFFFF000  }
0x23: {  	s1 =	sshll.u32 s22, $0xE  }
0x24: {  	s0 =	sxor.u32 $0x80, s23;
	s1 =	sadd.s32 s1, s6  }
0x25: {  	s2 =	simm.s32 $0x10;
	s25 =	sadd.s32 $0x100, s0;
	s26 =	sadd.s32 $0x0, s1  }
.LBB2_6:
0x26: {  	[tilespmem:s0], [sflag:$0x1] =	stream.linear.gather [hbm4b:s26+s4], $0x80, $0x38;
	[tilespmem:$0xA080] =	vst v63  }
0x27: {  	s26 =	smov.u32 s2;
	s0 =	smov.u32 s25;
	p1 =	sne.s32 s2, $0x1F0  }
.Ltmp2:
0x28: {  	s2 =	sadd.s32 $0x10, s2;
	(pc) =	sbr.rel @p1 .LBB2_6-.Ltmp2, $2  }
0x29: {  	_ =	sdelay $0x2  }
0x2a: {  	s25 =	sadd.s32 $0x100, s25;
	s26 =	sadd.s32 s26, s1  }
0x2b: {  	p1 =	slt.u32 s22, $0x2  }
.Ltmp3:
0x2c: {  	_ = 	snop;
	(pc) =	sbr.rel @p1 .LBB2_9-.Ltmp3, $2  }
0x2d: {  	_ =	sdelay $0x2  }
0x2e: {  	[tilespmem:s0], [sflag:$0x1] =	stream.linear.gather [hbm4b:s26+s4], $0x80, $0x38;
	[tilespmem:$0xA080] =	vst v63  }
.LBB2_8:
0x2f: {  	s0 =	sor.u32 $0x2, s24  }
0x30: {  	_ =	swait.ge [sflag:s0], $0x4000  }
0x31: {  	[sflag:s0] =	ssyncset.done $0x0  }
0x32: {  	[sflag:s0] =	ssyncadd.s32 $0xFFFFC000  }
.LBB2_9:
0x33: {  	s0 =	simm.s32 $0x1  }
0x34: {  	s0 =	simm.s32 @!p0 $0x0  }
0x35: {  	s0 =	sshll.u32 s0, $0x7  }
0x36: {  	s0 =	sor.u32 $0x200, s0  }
0x37: {  	v9 =	vld [tilespmem:s0+$0x100]  }
0x38: {  	s25 =	sor.u32 $0x2000, s23  }
0x39: {  	v8 =	vmov s25  }
0x3a: {  	s28 =	simm.s32 $0x0;
	s1 =	simm.s32 $0x30  }
0x3b: {  	s29 =	sand.u32 $0xC, s28;
	s1 =	sand.u32 $0x70, s1;
	v10 =	vld [tilespmem:s0+$0xFFFFFE00]  }
0x3c: {  	s1 =	sor.u32 s29, s1;
	v11 =	vperm.xlane v4, v9  }
0x3d: {  	s26 =	sshll.u32 s1, $0x8;
	v12 =	vperm.xlane v5, v9  }
0x3e: {  	[tilespmem:v8+s26+$0x0 ss:$0x1] =	vst.idx.msk $0xffff, v11;
	v11 =	vperm.xlane v6, v9  }
0x3f: {  	s15 =	sand.u32 $0x40, s28;
	v13 =	vld [tilespmem:s0+$0xFFFFFF00];
	v9 =	vperm.xlane v7, v9;
	[tilespmem:v8+s26+$0x100 ss:$0x1] =	vst.idx.msk $0xffff, v12  }
0x40: {  	s1 =	sor.u32 s29, s15;
	v12 =	vperm.xlane v4, v10;
	[tilespmem:v8+s26+$0x200 ss:$0x1] =	vst.idx.msk $0xffff, v11  }
0x41: {  	s2 =	sshll.u32 s1, $0x8;
	v11 =	vperm.xlane v5, v10;
	[tilespmem:v8+s26+$0x300 ss:$0x1] =	vst.idx.msk $0xffff, v9  }
0x42: {  	s17 =	simm.s32 $0x10;
	v9 =	vperm.xlane v6, v10;
	[tilespmem:v8+s2+$0x0 ss:$0x1] =	vst.idx.msk $0xffff, v12;
	v12 =	vld [tilespmem:s0+$0x110]  }
0x43: {  	s1 =	sand.u32 $0x50, s17;
	v10 =	vperm.xlane v7, v10;
	[tilespmem:v8+s2+$0x100 ss:$0x1] =	vst.idx.msk $0xffff, v11  }
0x44: {  	s1 =	sor.u32 s29, s1;
	v11 =	vperm.xlane v4, v13;
	[tilespmem:v8+s2+$0x200 ss:$0x1] =	vst.idx.msk $0xffff, v9  }
0x45: {  	s1 =	sshll.u32 s1, $0x8;
	v9 =	vperm.xlane v5, v13;
	[tilespmem:v8+s2+$0x300 ss:$0x1] =	vst.idx.msk $0xffff, v10  }
0x46: {  	v10 =	vperm.xlane v6, v13;
	[tilespmem:v8+s1+$0x0 ss:$0x1] =	vst.idx.msk $0xffff, v11  }
0x47: {  	v11 =	vld [tilespmem:s0+$0x0];
	[tilespmem:v8+s1+$0x100 ss:$0x1] =	vst.idx.msk $0xffff, v9;
	v9 =	vperm.xlane v4, v12  }
0x48: {  	[tilespmem:v8+s1+$0x200 ss:$0x1] =	vst.idx.msk $0xffff, v10;
	v10 =	vperm.xlane v5, v12  }
0x49: {  	[tilespmem:v8+s26+$0x10 ss:$0x1] =	vst.idx.msk $0xffff, v9;
	v9 =	vperm.xlane v6, v12  }
0x4a: {  	s30 =	simm.s32 $0x20;
	[tilespmem:v8+s26+$0x110 ss:$0x1] =	vst.idx.msk $0xffff, v10;
	v10 =	vperm.xlane v7, v12  }
0x4b: {  	s30 =	sand.u32 $0x60, s30;
	v12 =	vperm.xlane v7, v13;
	v13 =	vld [tilespmem:s0+$0xFFFFFE10];
	[tilespmem:v8+s26+$0x210 ss:$0x1] =	vst.idx.msk $0xffff, v9  }
0x4c: {  	s29 =	sor.u32 s29, s30;
	v9 =	vperm.xlane v4, v11;
	[tilespmem:v8+s26+$0x310 ss:$0x1] =	vst.idx.msk $0xffff, v10  }
0x4d: {  	s29 =	sshll.u32 s29, $0x8;
	v10 =	vperm.xlane v5, v11;
	[tilespmem:v8+s1+$0x300 ss:$0x1] =	vst.idx.msk $0xffff, v12;
	v12 =	vld [tilespmem:s0+$0x120]  }
0x4e: {  	v14 =	vperm.xlane v6, v11;
	[tilespmem:v8+s29+$0x0 ss:$0x1] =	vst.idx.msk $0xffff, v9  }
0x4f: {  	v9 =	vperm.xlane v7, v11;
	[tilespmem:v8+s29+$0x100 ss:$0x1] =	vst.idx.msk $0xffff, v10  }
0x50: {  	v10 =	vperm.xlane v4, v13;
	[tilespmem:v8+s29+$0x200 ss:$0x1] =	vst.idx.msk $0xffff, v14  }
0x51: {  	v11 =	vperm.xlane v5, v13;
	[tilespmem:v8+s29+$0x300 ss:$0x1] =	vst.idx.msk $0xffff, v9  }
0x52: {  	[tilespmem:v8+s2+$0x10 ss:$0x1] =	vst.idx.msk $0xffff, v10;
	v9 =	vperm.xlane v4, v12  }
0x53: {  	v10 =	vld [tilespmem:s0+$0xFFFFFF10];
	[tilespmem:v8+s2+$0x110 ss:$0x1] =	vst.idx.msk $0xffff, v11;
	v11 =	vperm.xlane v5, v12  }
0x54: {  	[tilespmem:v8+s26+$0x20 ss:$0x1] =	vst.idx.msk $0xffff, v9;
	v9 =	vperm.xlane v6, v12  }
0x55: {  	[tilespmem:v8+s26+$0x120 ss:$0x1] =	vst.idx.msk $0xffff, v11;
	v11 =	vperm.xlane v7, v12  }
0x56: {  	v12 =	vperm.xlane v6, v13;
	[tilespmem:v8+s26+$0x220 ss:$0x1] =	vst.idx.msk $0xffff, v9  }
0x57: {  	v9 =	vperm.xlane v7, v13;
	v13 =	vld [tilespmem:s0+$0x10];
	[tilespmem:v8+s26+$0x320 ss:$0x1] =	vst.idx.msk $0xffff, v11  }
0x58: {  	v11 =	vperm.xlane v4, v10;
	[tilespmem:v8+s2+$0x210 ss:$0x1] =	vst.idx.msk $0xffff, v12;
	v12 =	vld [tilespmem:s0+$0x130]  }
0x59: {  	v14 =	vperm.xlane v5, v10;
	[tilespmem:v8+s2+$0x310 ss:$0x1] =	vst.idx.msk $0xffff, v9  }
0x5a: {  	v9 =	vperm.xlane v6, v10;
	[tilespmem:v8+s1+$0x10 ss:$0x1] =	vst.idx.msk $0xffff, v11  }
0x5b: {  	v10 =	vperm.xlane v7, v10;
	[tilespmem:v8+s1+$0x110 ss:$0x1] =	vst.idx.msk $0xffff, v14  }
0x5c: {  	v11 =	vperm.xlane v4, v13;
	[tilespmem:v8+s1+$0x210 ss:$0x1] =	vst.idx.msk $0xffff, v9  }
0x5d: {  	[tilespmem:v8+s1+$0x310 ss:$0x1] =	vst.idx.msk $0xffff, v10;
	v9 =	vperm.xlane v4, v12  }
0x5e: {  	[tilespmem:v8+s29+$0x10 ss:$0x1] =	vst.idx.msk $0xffff, v11;
	v10 =	vperm.xlane v5, v12  }
0x5f: {  	v11 =	vld [tilespmem:s0+$0xFFFFFE20];
	[tilespmem:v8+s26+$0x30 ss:$0x1] =	vst.idx.msk $0xffff, v9;
	v9 =	vperm.xlane v6, v12  }
0x60: {  	[tilespmem:v8+s26+$0x130 ss:$0x1] =	vst.idx.msk $0xffff, v10;
	v10 =	vperm.xlane v7, v12  }
0x61: {  	v12 =	vperm.xlane v5, v13;
	[tilespmem:v8+s26+$0x230 ss:$0x1] =	vst.idx.msk $0xffff, v9  }
0x62: {  	v9 =	vperm.xlane v6, v13;
	[tilespmem:v8+s26+$0x330 ss:$0x1] =	vst.idx.msk $0xffff, v10  }
0x63: {  	v10 =	vperm.xlane v7, v13;
	[tilespmem:v8+s29+$0x110 ss:$0x1] =	vst.idx.msk $0xffff, v12;
	v12 =	vld [tilespmem:s0+$0x140]  }
0x64: {  	v13 =	vperm.xlane v4, v11;
	[tilespmem:v8+s29+$0x210 ss:$0x1] =	vst.idx.msk $0xffff, v9  }
0x65: {  	v9 =	vperm.xlane v5, v11;
	[tilespmem:v8+s29+$0x310 ss:$0x1] =	vst.idx.msk $0xffff, v10  }
0x66: {  	v10 =	vperm.xlane v6, v11;
	[tilespmem:v8+s2+$0x20 ss:$0x1] =	vst.idx.msk $0xffff, v13  }
0x67: {  	v13 =	vld [tilespmem:s0+$0xFFFFFF20];
	v11 =	vperm.xlane v7, v11;
	[tilespmem:v8+s2+$0x120 ss:$0x1] =	vst.idx.msk $0xffff, v9  }
0x68: {  	[tilespmem:v8+s2+$0x220 ss:$0x1] =	vst.idx.msk $0xffff, v10;
	v9 =	vperm.xlane v4, v12  }
0x69: {  	[tilespmem:v8+s2+$0x320 ss:$0x1] =	vst.idx.msk $0xffff, v11;
	v10 =	vperm.xlane v5, v12  }
0x6a: {  	[tilespmem:v8+s26+$0x40 ss:$0x1] =	vst.idx.msk $0xffff, v9;
	v9 =	vperm.xlane v6, v12  }
0x6b: {  	v11 =	vld [tilespmem:s0+$0x20];
	[tilespmem:v8+s26+$0x140 ss:$0x1] =	vst.idx.msk $0xffff, v10;
	v10 =	vperm.xlane v7, v12  }
0x6c: {  	v12 =	vperm.xlane v4, v13;
	[tilespmem:v8+s26+$0x240 ss:$0x1] =	vst.idx.msk $0xffff, v9  }
0x6d: {  	v9 =	vperm.xlane v5, v13;
	[tilespmem:v8+s26+$0x340 ss:$0x1] =	vst.idx.msk $0xffff, v10  }
0x6e: {  	v10 =	vperm.xlane v6, v13;
	[tilespmem:v8+s1+$0x20 ss:$0x1] =	vst.idx.msk $0xffff, v12;
	v12 =	vld [tilespmem:s0+$0x150]  }
0x6f: {  	v13 =	vperm.xlane v7, v13;
	[tilespmem:v8+s1+$0x120 ss:$0x1] =	vst.idx.msk $0xffff, v9  }
0x70: {  	v9 =	vperm.xlane v4, v11;
	[tilespmem:v8+s1+$0x220 ss:$0x1] =	vst.idx.msk $0xffff, v10  }
0x71: {  	v10 =	vperm.xlane v5, v11;
	[tilespmem:v8+s1+$0x320 ss:$0x1] =	vst.idx.msk $0xffff, v13  }
0x72: {  	v13 =	vperm.xlane v6, v11;
	[tilespmem:v8+s29+$0x20 ss:$0x1] =	vst.idx.msk $0xffff, v9  }
0x73: {  	v9 =	vld [tilespmem:s0+$0xFFFFFE30];
	[tilespmem:v8+s29+$0x120 ss:$0x1] =	vst.idx.msk $0xffff, v10;
	v10 =	vperm.xlane v4, v12  }
0x74: {  	[tilespmem:v8+s29+$0x220 ss:$0x1] =	vst.idx.msk $0xffff, v13;
	v13 =	vperm.xlane v5, v12  }
0x75: {  	[tilespmem:v8+s26+$0x50 ss:$0x1] =	vst.idx.msk $0xffff, v10;
	v10 =	vperm.xlane v6, v12  }
0x76: {  	v12 =	vperm.xlane v7, v12;
	[tilespmem:v8+s26+$0x150 ss:$0x1] =	vst.idx.msk $0xffff, v13  }
0x77: {  	v11 =	vperm.xlane v7, v11;
	v13 =	vld [tilespmem:s0+$0xFFFFFF30];
	[tilespmem:v8+s26+$0x250 ss:$0x1] =	vst.idx.msk $0xffff, v10  }
0x78: {  	v10 =	vperm.xlane v4, v9;
	[tilespmem:v8+s26+$0x350 ss:$0x1] =	vst.idx.msk $0xffff, v12  }
0x79: {  	[tilespmem:v8+s29+$0x320 ss:$0x1] =	vst.idx.msk $0xffff, v11;
	v12 =	vperm.xlane v5, v9;
	v11 =	vld [tilespmem:s0+$0x160]  }
0x7a: {  	v14 =	vperm.xlane v6, v9;
	[tilespmem:v8+s2+$0x30 ss:$0x1] =	vst.idx.msk $0xffff, v10  }
0x7b: {  	v9 =	vperm.xlane v7, v9;
	[tilespmem:v8+s2+$0x130 ss:$0x1] =	vst.idx.msk $0xffff, v12  }
0x7c: {  	v10 =	vperm.xlane v4, v13;
	[tilespmem:v8+s2+$0x230 ss:$0x1] =	vst.idx.msk $0xffff, v14  }
0x7d: {  	v12 =	vperm.xlane v5, v13;
	[tilespmem:v8+s2+$0x330 ss:$0x1] =	vst.idx.msk $0xffff, v9  }
0x7e: {  	[tilespmem:v8+s1+$0x30 ss:$0x1] =	vst.idx.msk $0xffff, v10;
	v9 =	vperm.xlane v4, v11  }
0x7f: {  	v10 =	vld [tilespmem:s0+$0x30];
	[tilespmem:v8+s1+$0x130 ss:$0x1] =	vst.idx.msk $0xffff, v12;
	v12 =	vperm.xlane v5, v11  }
0x80: {  	[tilespmem:v8+s26+$0x60 ss:$0x1] =	vst.idx.msk $0xffff, v9;
	v9 =	vperm.xlane v6, v11  }
0x81: {  	v11 =	vperm.xlane v7, v11;
	[tilespmem:v8+s26+$0x160 ss:$0x1] =	vst.idx.msk $0xffff, v12  }
0x82: {  	v12 =	vperm.xlane v6, v13;
	[tilespmem:v8+s26+$0x260 ss:$0x1] =	vst.idx.msk $0xffff, v9  }
0x83: {  	v9 =	vperm.xlane v7, v13;
	v13 =	vld [tilespmem:s0+$0xFFFFFE40];
	[tilespmem:v8+s26+$0x360 ss:$0x1] =	vst.idx.msk $0xffff, v11  }
0x84: {  	v11 =	vperm.xlane v4, v10;
	[tilespmem:v8+s1+$0x230 ss:$0x1] =	vst.idx.msk $0xffff, v12  }
0x85: {  	v14 =	vperm.xlane v5, v10;
	v12 =	vld [tilespmem:s0+$0x170];
	[tilespmem:v8+s1+$0x330 ss:$0x1] =	vst.idx.msk $0xffff, v9  }
0x86: {  	v9 =	vperm.xlane v6, v10;
	[tilespmem:v8+s29+$0x30 ss:$0x1] =	vst.idx.msk $0xffff, v11  }
0x87: {  	v10 =	vperm.xlane v7, v10;
	[tilespmem:v8+s29+$0x130 ss:$0x1] =	vst.idx.msk $0xffff, v14  }
0x88: {  	v14 =	vld [tilespmem:s0+$0xFFFFFF40];
	v11 =	vperm.xlane v4, v13;
	[tilespmem:v8+s29+$0x230 ss:$0x1] =	vst.idx.msk $0xffff, v9  }
0x89: {  	[tilespmem:v8+s29+$0x330 ss:$0x1] =	vst.idx.msk $0xffff, v10;
	v10 =	vperm.xlane v5, v13  }
0x8a: {  	v9 =	vperm.xlane v7, v12;
	[tilespmem:v8+s2+$0x40 ss:$0x1] =	vst.idx.msk $0xffff, v11  }
0x8b: {  	v11 =	vperm.xlane v6, v13;
	[tilespmem:v8+s2+$0x140 ss:$0x1] =	vst.idx.msk $0xffff, v10  }
0x8c: {  	[tilespmem:v8+s26+$0x370 ss:$0x1] =	vst.idx.msk $0xffff, v9;
	v9 =	vperm.xlane v7, v13;
	v13 =	vld [tilespmem:s0+$0x40]  }
0x8d: {  	v10 =	vperm.xlane v4, v14;
	[tilespmem:v8+s2+$0x240 ss:$0x1] =	vst.idx.msk $0xffff, v11  }
0x8e: {  	v11 =	vperm.xlane v5, v14;
	[tilespmem:v8+s2+$0x340 ss:$0x1] =	vst.idx.msk $0xffff, v9  }
0x8f: {  	v9 =	vperm.xlane v6, v14;
	[tilespmem:v8+s1+$0x40 ss:$0x1] =	vst.idx.msk $0xffff, v10  }
0x90: {  	v10 =	vperm.xlane v7, v14;
	v14 =	vld [tilespmem:s0+$0xFFFFFE50];
	[tilespmem:v8+s1+$0x140 ss:$0x1] =	vst.idx.msk $0xffff, v11  }
0x91: {  	[tilespmem:v8+s1+$0x240 ss:$0x1] =	vst.idx.msk $0xffff, v9;
	v11 =	vperm.xlane v4, v13  }
0x92: {  	v9 =	vperm.xlane v5, v13;
	[tilespmem:v8+s1+$0x340 ss:$0x1] =	vst.idx.msk $0xffff, v10  }
0x93: {  	v10 =	vperm.xlane v6, v13;
	[tilespmem:v8+s29+$0x40 ss:$0x1] =	vst.idx.msk $0xffff, v11  }
0x94: {  	v11 =	vperm.xlane v7, v13;
	v13 =	vld [tilespmem:s0+$0xFFFFFF50];
	[tilespmem:v8+s29+$0x140 ss:$0x1] =	vst.idx.msk $0xffff, v9  }
0x95: {  	v9 =	vperm.xlane v4, v14;
	[tilespmem:v8+s29+$0x240 ss:$0x1] =	vst.idx.msk $0xffff, v10  }
0x96: {  	v10 =	vperm.xlane v5, v14;
	[tilespmem:v8+s29+$0x340 ss:$0x1] =	vst.idx.msk $0xffff, v11  }
0x97: {  	v11 =	vperm.xlane v6, v14;
	[tilespmem:v8+s2+$0x50 ss:$0x1] =	vst.idx.msk $0xffff, v9  }
0x98: {  	v9 =	vperm.xlane v7, v14;
	v14 =	vld [tilespmem:s0+$0x50];
	[tilespmem:v8+s2+$0x150 ss:$0x1] =	vst.idx.msk $0xffff, v10  }
0x99: {  	v10 =	vperm.xlane v4, v13;
	[tilespmem:v8+s2+$0x250 ss:$0x1] =	vst.idx.msk $0xffff, v11  }
0x9a: {  	v11 =	vperm.xlane v5, v13;
	[tilespmem:v8+s2+$0x350 ss:$0x1] =	vst.idx.msk $0xffff, v9  }
0x9b: {  	v9 =	vperm.xlane v6, v13;
	[tilespmem:v8+s1+$0x50 ss:$0x1] =	vst.idx.msk $0xffff, v10  }
0x9c: {  	v10 =	vperm.xlane v7, v13;
	v13 =	vld [tilespmem:s0+$0xFFFFFE60];
	[tilespmem:v8+s1+$0x150 ss:$0x1] =	vst.idx.msk $0xffff, v11  }
0x9d: {  	v11 =	vperm.xlane v4, v14;
	[tilespmem:v8+s1+$0x250 ss:$0x1] =	vst.idx.msk $0xffff, v9  }
0x9e: {  	v9 =	vperm.xlane v5, v14;
	[tilespmem:v8+s1+$0x350 ss:$0x1] =	vst.idx.msk $0xffff, v10  }
0x9f: {  	v10 =	vperm.xlane v6, v14;
	[tilespmem:v8+s29+$0x50 ss:$0x1] =	vst.idx.msk $0xffff, v11  }
0xa0: {  	v11 =	vperm.xlane v7, v14;
	v14 =	vld [tilespmem:s0+$0xFFFFFF60];
	[tilespmem:v8+s29+$0x150 ss:$0x1] =	vst.idx.msk $0xffff, v9  }
0xa1: {  	v9 =	vperm.xlane v4, v13;
	[tilespmem:v8+s29+$0x250 ss:$0x1] =	vst.idx.msk $0xffff, v10  }
0xa2: {  	v10 =	vperm.xlane v5, v13;
	[tilespmem:v8+s29+$0x350 ss:$0x1] =	vst.idx.msk $0xffff, v11  }
0xa3: {  	v11 =	vperm.xlane v6, v13;
	[tilespmem:v8+s2+$0x60 ss:$0x1] =	vst.idx.msk $0xffff, v9  }
0xa4: {  	v9 =	vperm.xlane v7, v13;
	v13 =	vld [tilespmem:s0+$0x60];
	[tilespmem:v8+s2+$0x160 ss:$0x1] =	vst.idx.msk $0xffff, v10  }
0xa5: {  	v10 =	vperm.xlane v4, v14;
	[tilespmem:v8+s2+$0x260 ss:$0x1] =	vst.idx.msk $0xffff, v11  }
0xa6: {  	v11 =	vperm.xlane v5, v14;
	[tilespmem:v8+s2+$0x360 ss:$0x1] =	vst.idx.msk $0xffff, v9  }
0xa7: {  	v9 =	vperm.xlane v6, v14;
	[tilespmem:v8+s1+$0x60 ss:$0x1] =	vst.idx.msk $0xffff, v10  }
0xa8: {  	v10 =	vperm.xlane v7, v14;
	v14 =	vld [tilespmem:s0+$0xFFFFFE70];
	[tilespmem:v8+s1+$0x160 ss:$0x1] =	vst.idx.msk $0xffff, v11  }
0xa9: {  	v11 =	vperm.xlane v4, v13;
	[tilespmem:v8+s1+$0x260 ss:$0x1] =	vst.idx.msk $0xffff, v9  }
0xaa: {  	v9 =	vperm.xlane v5, v13;
	[tilespmem:v8+s1+$0x360 ss:$0x1] =	vst.idx.msk $0xffff, v10  }
0xab: {  	v10 =	vperm.xlane v6, v13;
	[tilespmem:v8+s29+$0x60 ss:$0x1] =	vst.idx.msk $0xffff, v11  }
0xac: {  	v11 =	vperm.xlane v7, v13;
	v13 =	vld [tilespmem:s0+$0xFFFFFF70];
	[tilespmem:v8+s29+$0x160 ss:$0x1] =	vst.idx.msk $0xffff, v9  }
0xad: {  	v9 =	vperm.xlane v4, v14;
	[tilespmem:v8+s29+$0x260 ss:$0x1] =	vst.idx.msk $0xffff, v10  }
0xae: {  	v10 =	vperm.xlane v5, v14;
	[tilespmem:v8+s29+$0x360 ss:$0x1] =	vst.idx.msk $0xffff, v11  }
0xaf: {  	v11 =	vperm.xlane v6, v14;
	[tilespmem:v8+s2+$0x70 ss:$0x1] =	vst.idx.msk $0xffff, v9  }
0xb0: {  	v9 =	vperm.xlane v7, v14;
	v16 =	vld [tilespmem:s0+$0x70];
	[tilespmem:v8+s2+$0x170 ss:$0x1] =	vst.idx.msk $0xffff, v10  }
0xb1: {  	v14 =	vperm.xlane v4, v13;
	[tilespmem:v8+s2+$0x270 ss:$0x1] =	vst.idx.msk $0xffff, v11  }
0xb2: {  	v10 =	vperm.xlane v4, v12;
	v15 =	vperm.xlane v5, v13;
	[tilespmem:v8+s2+$0x370 ss:$0x1] =	vst.idx.msk $0xffff, v9  }
0xb3: {  	v11 =	vperm.xlane v5, v12;
	v17 =	vperm.xlane v6, v13;
	[tilespmem:v8+s1+$0x70 ss:$0x1] =	vst.idx.msk $0xffff, v14  }
0xb4: {  	v18 =	vperm.xlane v7, v13;
	v9 =	vperm.xlane v6, v12;
	[tilespmem:v8+s1+$0x170 ss:$0x1] =	vst.idx.msk $0xffff, v15  }
0xb5: {  	v14 =	vperm.xlane v4, v16;
	v13 =	vperm.xlane v5, v16;
	[tilespmem:v8+s1+$0x270 ss:$0x1] =	vst.idx.msk $0xffff, v17  }
0xb6: {  	s31 =	sadd.s32 $0x400, s0;
	s30 =	simm.s32 $0x0;
	s2 =	simm.s32 $0x0;
	v15 =	vperm.xlane v6, v16;
	v12 =	vperm.xlane v7, v16;
	[tilespmem:v8+s1+$0x370 ss:$0x1] =	vst.idx.msk $0xffff, v18  }
.LBB2_10:
0xb7: {  	v16 =	vld [tilespmem:s31+$0x100];
	[tilespmem:v8+s29+$0x70 ss:$0x1] =	vst.idx.msk $0xffff, v14  }
0xb8: {  	v14 =	vld [tilespmem:s31+$0xFFFFFE00];
	[tilespmem:v8+s29+$0x170 ss:$0x1] =	vst.idx.msk $0xffff, v13  }
0xb9: {  	s28 =	sadd.s32 $0x40, s28;
	v13 =	vld [tilespmem:s31+$0xFFFFFF00];
	[tilespmem:v8+s29+$0x270 ss:$0x1] =	vst.idx.msk $0xffff, v15  }
0xba: {  	s2 =	sadd.s32 $0x2, s2;
	s0 =	sadd.s32 $0x10, s28;
	s1 =	sadd.s32 $0x30, s28;
	v15 =	vld [tilespmem:s31+$0x0];
	[tilespmem:v8+s29+$0x370 ss:$0x1] =	vst.idx.msk $0xffff, v12  }
0xbb: {  	s15 =	sadd.s32 $0x20, s28;
	s1 =	sand.u32 $0x70, s1;
	s29 =	sand.u32 $0xC, s2;
	[tilespmem:v8+s26+$0x70 ss:$0x1] =	vst.idx.msk $0xffff, v10  }
0xbc: {  	s0 =	sand.u32 $0x50, s0;
	s15 =	sand.u32 $0x60, s15;
	s1 =	sor.u32 s29, s1;
	v10 =	vperm.xlane v4, v16;
	[tilespmem:v8+s26+$0x170 ss:$0x1] =	vst.idx.msk $0xffff, v11  }
0xbd: {  	s17 =	sand.u32 $0x40, s28;
	s0 =	sor.u32 s29, s0;
	v12 =	vperm.xlane v5, v16;
	v11 =	vperm.xlane v4, v14;
	[tilespmem:v8+s26+$0x270 ss:$0x1] =	vst.idx.msk $0xffff, v9;
	s26 =	sshll.u32 s1, $0x8  }
0xbe: {  	s15 =	sor.u32 s29, s15;
	s0 =	sshll.u32 s0, $0x8;
	s1 =	sor.u32 s29, s17;
	v9 =	vperm.xlane v5, v14;
	[tilespmem:v8+s26+$0x0 ss:$0x1] =	vst.idx.msk $0xffff, v10;
	v10 =	vperm.xlane v6, v16  }
0xbf: {  	v17 =	vperm.xlane v6, v14;
	s29 =	sshll.u32 s15, $0x8;
	s1 =	sshll.u32 s1, $0x8;
	[tilespmem:v8+s26+$0x100 ss:$0x1] =	vst.idx.msk $0xffff, v12;
	v12 =	vperm.xlane v7, v16  }
0xc0: {  	v14 =	vperm.xlane v7, v14;
	v16 =	vperm.xlane v4, v13;
	[tilespmem:v8+s26+$0x200 ss:$0x1] =	vst.idx.msk $0xffff, v10  }
0xc1: {  	v18 =	vperm.xlane v6, v13;
	v10 =	vperm.xlane v5, v13;
	[tilespmem:v8+s26+$0x300 ss:$0x1] =	vst.idx.msk $0xffff, v12  }
0xc2: {  	v12 =	vperm.xlane v4, v15;
	[tilespmem:v8+s1+$0x0 ss:$0x1] =	vst.idx.msk $0xffff, v11;
	v11 =	vperm.xlane v7, v13;
	v13 =	vld [tilespmem:s31+$0x110]  }
0xc3: {  	v19 =	vperm.xlane v6, v15;
	[tilespmem:v8+s1+$0x100 ss:$0x1] =	vst.idx.msk $0xffff, v9;
	v9 =	vperm.xlane v5, v15  }
0xc4: {  	v15 =	vperm.xlane v7, v15;
	[tilespmem:v8+s1+$0x200 ss:$0x1] =	vst.idx.msk $0xffff, v17  }
0xc5: {  	[tilespmem:v8+s1+$0x300 ss:$0x1] =	vst.idx.msk $0xffff, v14  }
0xc6: {  	v14 =	vld [tilespmem:s31+$0xFFFFFE10];
	[tilespmem:v8+s0+$0x0 ss:$0x1] =	vst.idx.msk $0xffff, v16  }
0xc7: {  	[tilespmem:v8+s0+$0x100 ss:$0x1] =	vst.idx.msk $0xffff, v10;
	v10 =	vperm.xlane v4, v13  }
0xc8: {  	v16 =	vperm.xlane v5, v13;
	[tilespmem:v8+s0+$0x200 ss:$0x1] =	vst.idx.msk $0xffff, v18  }
0xc9: {  	[tilespmem:v8+s26+$0x10 ss:$0x1] =	vst.idx.msk $0xffff, v10;
	v10 =	vperm.xlane v6, v13  }
0xca: {  	v13 =	vperm.xlane v7, v13;
	[tilespmem:v8+s26+$0x110 ss:$0x1] =	vst.idx.msk $0xffff, v16  }
0xcb: {  	v16 =	vperm.xlane v4, v14;
	v17 =	vperm.xlane v5, v14;
	[tilespmem:v8+s26+$0x210 ss:$0x1] =	vst.idx.msk $0xffff, v10  }
0xcc: {  	s30 =	sadd.s32 $0x4, s30;
	v10 =	vperm.xlane v6, v14;
	v14 =	vperm.xlane v7, v14;
	[tilespmem:v8+s26+$0x310 ss:$0x1] =	vst.idx.msk $0xffff, v13  }
0xcd: {  	p1 =	slt.u32 s30, $0x1C;
	[tilespmem:v8+s0+$0x300 ss:$0x1] =	vst.idx.msk $0xffff, v11;
	v11 =	vld [tilespmem:s31+$0x120]  }
0xce: {  	v13 =	vld [tilespmem:s31+$0xFFFFFF10];
	[tilespmem:v8+s29+$0x0 ss:$0x1] =	vst.idx.msk $0xffff, v12  }
0xcf: {  	[tilespmem:v8+s29+$0x100 ss:$0x1] =	vst.idx.msk $0xffff, v9  }
0xd0: {  	[tilespmem:v8+s29+$0x200 ss:$0x1] =	vst.idx.msk $0xffff, v19  }
0xd1: {  	[tilespmem:v8+s29+$0x300 ss:$0x1] =	vst.idx.msk $0xffff, v15  }
0xd2: {  	[tilespmem:v8+s1+$0x10 ss:$0x1] =	vst.idx.msk $0xffff, v16;
	v9 =	vld [tilespmem:s31+$0x10];
	v12 =	vperm.xlane v4, v11  }
0xd3: {  	v16 =	vperm.xlane v5, v11;
	[tilespmem:v8+s1+$0x110 ss:$0x1] =	vst.idx.msk $0xffff, v17;
	v15 =	vperm.xlane v4, v13  }
0xd4: {  	v17 =	vperm.xlane v5, v13;
	[tilespmem:v8+s26+$0x20 ss:$0x1] =	vst.idx.msk $0xffff, v12;
	v12 =	vperm.xlane v6, v11  }
0xd5: {  	v18 =	vperm.xlane v6, v13;
	v11 =	vperm.xlane v7, v11;
	[tilespmem:v8+s26+$0x120 ss:$0x1] =	vst.idx.msk $0xffff, v16  }
0xd6: {  	v13 =	vperm.xlane v7, v13;
	[tilespmem:v8+s26+$0x220 ss:$0x1] =	vst.idx.msk $0xffff, v12  }
0xd7: {  	v12 =	vperm.xlane v4, v9;
	v16 =	vperm.xlane v5, v9;
	[tilespmem:v8+s26+$0x320 ss:$0x1] =	vst.idx.msk $0xffff, v11  }
0xd8: {  	[tilespmem:v8+s1+$0x210 ss:$0x1] =	vst.idx.msk $0xffff, v10;
	v10 =	vperm.xlane v6, v9;
	v9 =	vperm.xlane v7, v9;
	v11 =	vld [tilespmem:s31+$0x130]  }
0xd9: {  	[tilespmem:v8+s1+$0x310 ss:$0x1] =	vst.idx.msk $0xffff, v14  }
0xda: {  	v14 =	vld [tilespmem:s31+$0xFFFFFE20];
	[tilespmem:v8+s0+$0x10 ss:$0x1] =	vst.idx.msk $0xffff, v15  }
0xdb: {  	[tilespmem:v8+s0+$0x110 ss:$0x1] =	vst.idx.msk $0xffff, v17  }
0xdc: {  	[tilespmem:v8+s0+$0x210 ss:$0x1] =	vst.idx.msk $0xffff, v18  }
0xdd: {  	[tilespmem:v8+s0+$0x310 ss:$0x1] =	vst.idx.msk $0xffff, v13;
	v13 =	vperm.xlane v4, v11  }
0xde: {  	v15 =	vld [tilespmem:s31+$0xFFFFFF20];
	[tilespmem:v8+s29+$0x10 ss:$0x1] =	vst.idx.msk $0xffff, v12;
	v12 =	vperm.xlane v5, v11  }
0xdf: {  	v17 =	vperm.xlane v4, v14;
	[tilespmem:v8+s26+$0x30 ss:$0x1] =	vst.idx.msk $0xffff, v13;
	v13 =	vperm.xlane v6, v11  }
0xe0: {  	v18 =	vperm.xlane v5, v14;
	v11 =	vperm.xlane v7, v11;
	[tilespmem:v8+s26+$0x130 ss:$0x1] =	vst.idx.msk $0xffff, v12  }
0xe1: {  	v12 =	vperm.xlane v6, v14;
	v14 =	vperm.xlane v7, v14;
	[tilespmem:v8+s26+$0x230 ss:$0x1] =	vst.idx.msk $0xffff, v13  }
0xe2: {  	[tilespmem:v8+s26+$0x330 ss:$0x1] =	vst.idx.msk $0xffff, v11  }
0xe3: {  	v11 =	vperm.xlane v4, v15;
	v13 =	vperm.xlane v5, v15;
	[tilespmem:v8+s29+$0x110 ss:$0x1] =	vst.idx.msk $0xffff, v16;
	v16 =	vld [tilespmem:s31+$0x140]  }
0xe4: {  	v19 =	vperm.xlane v6, v15;
	v15 =	vperm.xlane v7, v15;
	[tilespmem:v8+s29+$0x210 ss:$0x1] =	vst.idx.msk $0xffff, v10  }
0xe5: {  	[tilespmem:v8+s29+$0x310 ss:$0x1] =	vst.idx.msk $0xffff, v9  }
0xe6: {  	[tilespmem:v8+s1+$0x20 ss:$0x1] =	vst.idx.msk $0xffff, v17;
	v9 =	vld [tilespmem:s31+$0x20]  }
0xe7: {  	[tilespmem:v8+s1+$0x120 ss:$0x1] =	vst.idx.msk $0xffff, v18  }
0xe8: {  	[tilespmem:v8+s1+$0x220 ss:$0x1] =	vst.idx.msk $0xffff, v12;
	v10 =	vperm.xlane v4, v16  }
0xe9: {  	v12 =	vperm.xlane v5, v16;
	[tilespmem:v8+s1+$0x320 ss:$0x1] =	vst.idx.msk $0xffff, v14  }
0xea: {  	v14 =	vld [tilespmem:s31+$0xFFFFFE30];
	[tilespmem:v8+s26+$0x40 ss:$0x1] =	vst.idx.msk $0xffff, v10;
	v10 =	vperm.xlane v6, v16  }
0xeb: {  	v17 =	vperm.xlane v4, v9;
	[tilespmem:v8+s26+$0x140 ss:$0x1] =	vst.idx.msk $0xffff, v12;
	v12 =	vperm.xlane v7, v16  }
0xec: {  	v16 =	vperm.xlane v5, v9;
	v18 =	vperm.xlane v6, v9;
	[tilespmem:v8+s26+$0x240 ss:$0x1] =	vst.idx.msk $0xffff, v10  }
0xed: {  	v9 =	vperm.xlane v7, v9;
	[tilespmem:v8+s26+$0x340 ss:$0x1] =	vst.idx.msk $0xffff, v12  }
0xee: {  	[tilespmem:v8+s0+$0x20 ss:$0x1] =	vst.idx.msk $0xffff, v11;
	v10 =	vld [tilespmem:s31+$0x150]  }
0xef: {  	v11 =	vperm.xlane v4, v14;
	v12 =	vperm.xlane v5, v14;
	[tilespmem:v8+s0+$0x120 ss:$0x1] =	vst.idx.msk $0xffff, v13  }
0xf0: {  	v13 =	vperm.xlane v6, v14;
	v14 =	vperm.xlane v7, v14;
	[tilespmem:v8+s0+$0x220 ss:$0x1] =	vst.idx.msk $0xffff, v19  }
0xf1: {  	[tilespmem:v8+s0+$0x320 ss:$0x1] =	vst.idx.msk $0xffff, v15  }
0xf2: {  	v15 =	vld [tilespmem:s31+$0xFFFFFF30];
	[tilespmem:v8+s29+$0x20 ss:$0x1] =	vst.idx.msk $0xffff, v17  }
0xf3: {  	[tilespmem:v8+s29+$0x120 ss:$0x1] =	vst.idx.msk $0xffff, v16;
	v16 =	vperm.xlane v4, v10  }
0xf4: {  	v17 =	vperm.xlane v5, v10;
	[tilespmem:v8+s29+$0x220 ss:$0x1] =	vst.idx.msk $0xffff, v18  }
0xf5: {  	[tilespmem:v8+s26+$0x50 ss:$0x1] =	vst.idx.msk $0xffff, v16;
	v16 =	vperm.xlane v6, v10  }
0xf6: {  	v10 =	vperm.xlane v7, v10;
	[tilespmem:v8+s26+$0x150 ss:$0x1] =	vst.idx.msk $0xffff, v17  }
0xf7: {  	v17 =	vperm.xlane v4, v15;
	v18 =	vperm.xlane v5, v15;
	[tilespmem:v8+s26+$0x250 ss:$0x1] =	vst.idx.msk $0xffff, v16  }
0xf8: {  	v16 =	vperm.xlane v6, v15;
	v15 =	vperm.xlane v7, v15;
	[tilespmem:v8+s26+$0x350 ss:$0x1] =	vst.idx.msk $0xffff, v10  }
0xf9: {  	[tilespmem:v8+s29+$0x320 ss:$0x1] =	vst.idx.msk $0xffff, v9;
	v9 =	vld [tilespmem:s31+$0x160]  }
0xfa: {  	[tilespmem:v8+s1+$0x30 ss:$0x1] =	vst.idx.msk $0xffff, v11;
	v10 =	vld [tilespmem:s31+$0x30]  }
0xfb: {  	[tilespmem:v8+s1+$0x130 ss:$0x1] =	vst.idx.msk $0xffff, v12  }
0xfc: {  	[tilespmem:v8+s1+$0x230 ss:$0x1] =	vst.idx.msk $0xffff, v13  }
0xfd: {  	[tilespmem:v8+s1+$0x330 ss:$0x1] =	vst.idx.msk $0xffff, v14  }
0xfe: {  	v11 =	vld [tilespmem:s31+$0xFFFFFE40];
	[tilespmem:v8+s0+$0x30 ss:$0x1] =	vst.idx.msk $0xffff, v17;
	v12 =	vperm.xlane v4, v9  }
0xff: {  	v14 =	vperm.xlane v5, v9;
	[tilespmem:v8+s0+$0x130 ss:$0x1] =	vst.idx.msk $0xffff, v18;
	v13 =	vperm.xlane v4, v10  }
0x100: {  	v17 =	vperm.xlane v5, v10;
	[tilespmem:v8+s26+$0x60 ss:$0x1] =	vst.idx.msk $0xffff, v12;
	v12 =	vperm.xlane v6, v9  }
0x101: {  	v18 =	vperm.xlane v6, v10;
	v9 =	vperm.xlane v7, v9;
	[tilespmem:v8+s26+$0x160 ss:$0x1] =	vst.idx.msk $0xffff, v14  }
0x102: {  	v10 =	vperm.xlane v7, v10;
	[tilespmem:v8+s26+$0x260 ss:$0x1] =	vst.idx.msk $0xffff, v12  }
0x103: {  	v12 =	vperm.xlane v4, v11;
	v14 =	vperm.xlane v5, v11;
	[tilespmem:v8+s26+$0x360 ss:$0x1] =	vst.idx.msk $0xffff, v9  }
0x104: {  	v19 =	vperm.xlane v6, v11;
	v20 =	vperm.xlane v7, v11;
	[tilespmem:v8+s0+$0x230 ss:$0x1] =	vst.idx.msk $0xffff, v16;
	v9 =	vld [tilespmem:s31+$0x170]  }
0x105: {  	[tilespmem:v8+s0+$0x330 ss:$0x1] =	vst.idx.msk $0xffff, v15  }
0x106: {  	v15 =	vld [tilespmem:s31+$0xFFFFFF40];
	[tilespmem:v8+s29+$0x30 ss:$0x1] =	vst.idx.msk $0xffff, v13  }
0x107: {  	[tilespmem:v8+s29+$0x130 ss:$0x1] =	vst.idx.msk $0xffff, v17  }
0x108: {  	[tilespmem:v8+s29+$0x230 ss:$0x1] =	vst.idx.msk $0xffff, v18  }
0x109: {  	[tilespmem:v8+s29+$0x330 ss:$0x1] =	vst.idx.msk $0xffff, v10;
	v10 =	vperm.xlane v4, v9;
	v13 =	vperm.xlane v7, v9  }
0x10a: {  	v11 =	vperm.xlane v5, v9;
	v9 =	vperm.xlane v6, v9;
	[tilespmem:v8+s1+$0x40 ss:$0x1] =	vst.idx.msk $0xffff, v12;
	v12 =	vld [tilespmem:s31+$0x40]  }
0x10b: {  	v16 =	vperm.xlane v4, v15;
	v17 =	vperm.xlane v5, v15;
	[tilespmem:v8+s26+$0x370 ss:$0x1] =	vst.idx.msk $0xffff, v13  }
0x10c: {  	v13 =	vperm.xlane v6, v15;
	[tilespmem:v8+s1+$0x140 ss:$0x1] =	vst.idx.msk $0xffff, v14;
	v14 =	vperm.xlane v7, v15  }
0x10d: {  	[tilespmem:v8+s1+$0x240 ss:$0x1] =	vst.idx.msk $0xffff, v19  }
0x10e: {  	[tilespmem:v8+s1+$0x340 ss:$0x1] =	vst.idx.msk $0xffff, v20  }
0x10f: {  	v15 =	vld [tilespmem:s31+$0xFFFFFE50];
	[tilespmem:v8+s0+$0x40 ss:$0x1] =	vst.idx.msk $0xffff, v16;
	v16 =	vperm.xlane v4, v12;
	v18 =	vperm.xlane v5, v12  }
0x110: {  	[tilespmem:v8+s0+$0x140 ss:$0x1] =	vst.idx.msk $0xffff, v17;
	v17 =	vperm.xlane v6, v12;
	v12 =	vperm.xlane v7, v12  }
0x111: {  	[tilespmem:v8+s0+$0x240 ss:$0x1] =	vst.idx.msk $0xffff, v13  }
0x112: {  	[tilespmem:v8+s0+$0x340 ss:$0x1] =	vst.idx.msk $0xffff, v14  }
0x113: {  	v13 =	vld [tilespmem:s31+$0xFFFFFF50];
	[tilespmem:v8+s29+$0x40 ss:$0x1] =	vst.idx.msk $0xffff, v16  }
0x114: {  	v14 =	vperm.xlane v4, v15;
	v16 =	vperm.xlane v5, v15;
	[tilespmem:v8+s29+$0x140 ss:$0x1] =	vst.idx.msk $0xffff, v18  }
0x115: {  	v18 =	vperm.xlane v6, v15;
	v15 =	vperm.xlane v7, v15;
	[tilespmem:v8+s29+$0x240 ss:$0x1] =	vst.idx.msk $0xffff, v17  }
0x116: {  	[tilespmem:v8+s29+$0x340 ss:$0x1] =	vst.idx.msk $0xffff, v12  }
0x117: {  	[tilespmem:v8+s1+$0x50 ss:$0x1] =	vst.idx.msk $0xffff, v14;
	v12 =	vld [tilespmem:s31+$0x50]  }
0x118: {  	[tilespmem:v8+s1+$0x150 ss:$0x1] =	vst.idx.msk $0xffff, v16;
	v14 =	vperm.xlane v4, v13;
	v16 =	vperm.xlane v5, v13  }
0x119: {  	v17 =	vperm.xlane v6, v13;
	v13 =	vperm.xlane v7, v13;
	[tilespmem:v8+s1+$0x250 ss:$0x1] =	vst.idx.msk $0xffff, v18  }
0x11a: {  	[tilespmem:v8+s1+$0x350 ss:$0x1] =	vst.idx.msk $0xffff, v15  }
0x11b: {  	v15 =	vld [tilespmem:s31+$0xFFFFFE60];
	[tilespmem:v8+s0+$0x50 ss:$0x1] =	vst.idx.msk $0xffff, v14  }
0x11c: {  	[tilespmem:v8+s0+$0x150 ss:$0x1] =	vst.idx.msk $0xffff, v16;
	v14 =	vperm.xlane v4, v12;
	v16 =	vperm.xlane v5, v12  }
0x11d: {  	[tilespmem:v8+s0+$0x250 ss:$0x1] =	vst.idx.msk $0xffff, v17;
	v17 =	vperm.xlane v6, v12;
	v12 =	vperm.xlane v7, v12  }
0x11e: {  	[tilespmem:v8+s0+$0x350 ss:$0x1] =	vst.idx.msk $0xffff, v13  }
0x11f: {  	v13 =	vld [tilespmem:s31+$0xFFFFFF60];
	[tilespmem:v8+s29+$0x50 ss:$0x1] =	vst.idx.msk $0xffff, v14  }
0x120: {  	v14 =	vperm.xlane v4, v15;
	v18 =	vperm.xlane v5, v15;
	[tilespmem:v8+s29+$0x150 ss:$0x1] =	vst.idx.msk $0xffff, v16  }
0x121: {  	v16 =	vperm.xlane v6, v15;
	v15 =	vperm.xlane v7, v15;
	[tilespmem:v8+s29+$0x250 ss:$0x1] =	vst.idx.msk $0xffff, v17  }
0x122: {  	[tilespmem:v8+s29+$0x350 ss:$0x1] =	vst.idx.msk $0xffff, v12  }
0x123: {  	[tilespmem:v8+s1+$0x60 ss:$0x1] =	vst.idx.msk $0xffff, v14;
	v12 =	vld [tilespmem:s31+$0x60]  }
0x124: {  	[tilespmem:v8+s1+$0x160 ss:$0x1] =	vst.idx.msk $0xffff, v18;
	v14 =	vperm.xlane v4, v13;
	v17 =	vperm.xlane v5, v13  }
0x125: {  	[tilespmem:v8+s1+$0x260 ss:$0x1] =	vst.idx.msk $0xffff, v16;
	v16 =	vperm.xlane v6, v13;
	v13 =	vperm.xlane v7, v13  }
0x126: {  	[tilespmem:v8+s1+$0x360 ss:$0x1] =	vst.idx.msk $0xffff, v15  }
0x127: {  	v15 =	vld [tilespmem:s31+$0xFFFFFE70];
	[tilespmem:v8+s0+$0x60 ss:$0x1] =	vst.idx.msk $0xffff, v14  }
0x128: {  	[tilespmem:v8+s0+$0x160 ss:$0x1] =	vst.idx.msk $0xffff, v17;
	v14 =	vperm.xlane v4, v12;
	v17 =	vperm.xlane v5, v12  }
0x129: {  	[tilespmem:v8+s0+$0x260 ss:$0x1] =	vst.idx.msk $0xffff, v16;
	v16 =	vperm.xlane v6, v12;
	v12 =	vperm.xlane v7, v12  }
0x12a: {  	[tilespmem:v8+s0+$0x360 ss:$0x1] =	vst.idx.msk $0xffff, v13  }
0x12b: {  	v13 =	vld [tilespmem:s31+$0xFFFFFF70];
	[tilespmem:v8+s29+$0x60 ss:$0x1] =	vst.idx.msk $0xffff, v14  }
0x12c: {  	v14 =	vperm.xlane v4, v15;
	v18 =	vperm.xlane v5, v15;
	[tilespmem:v8+s29+$0x160 ss:$0x1] =	vst.idx.msk $0xffff, v17  }
0x12d: {  	v17 =	vperm.xlane v6, v15;
	v15 =	vperm.xlane v7, v15;
	[tilespmem:v8+s29+$0x260 ss:$0x1] =	vst.idx.msk $0xffff, v16  }
0x12e: {  	[tilespmem:v8+s29+$0x360 ss:$0x1] =	vst.idx.msk $0xffff, v12  }
0x12f: {  	[tilespmem:v8+s1+$0x70 ss:$0x1] =	vst.idx.msk $0xffff, v14;
	v12 =	vld [tilespmem:s31+$0x70]  }
0x130: {  	[tilespmem:v8+s1+$0x170 ss:$0x1] =	vst.idx.msk $0xffff, v18;
	v14 =	vperm.xlane v4, v13;
	v16 =	vperm.xlane v5, v13  }
0x131: {  	v18 =	vperm.xlane v7, v13;
	[tilespmem:v8+s1+$0x270 ss:$0x1] =	vst.idx.msk $0xffff, v17;
	v17 =	vperm.xlane v6, v13  }
.Ltmp4:
0x132: {  	[tilespmem:v8+s1+$0x370 ss:$0x1] =	vst.idx.msk $0xffff, v15;
	(pc) =	sbr.rel @p1 .LBB2_10-.Ltmp4, $4  }
0x133: {  	[tilespmem:v8+s0+$0x70 ss:$0x1] =	vst.idx.msk $0xffff, v14  }
0x134: {  	[tilespmem:v8+s0+$0x170 ss:$0x1] =	vst.idx.msk $0xffff, v16;
	v14 =	vperm.xlane v4, v12;
	v13 =	vperm.xlane v5, v12  }
0x135: {  	v15 =	vperm.xlane v6, v12;
	v12 =	vperm.xlane v7, v12;
	[tilespmem:v8+s0+$0x270 ss:$0x1] =	vst.idx.msk $0xffff, v17  }
0x136: {  	s31 =	sadd.s32 $0x400, s31;
	[tilespmem:v8+s0+$0x370 ss:$0x1] =	vst.idx.msk $0xffff, v18  }
0x137: {  	_ =	sdelay $0x3  }
0x138: {  	[tilespmem:v8+s29+$0x70 ss:$0x1] =	vst.idx.msk $0xffff, v14  }
0x139: {  	[tilespmem:v8+s26+$0x70 ss:$0x1] =	vst.idx.msk $0xffff, v10  }
0x13a: {  	[tilespmem:v8+s29+$0x170 ss:$0x1] =	vst.idx.msk $0xffff, v13  }
0x13b: {  	[tilespmem:v8+s26+$0x170 ss:$0x1] =	vst.idx.msk $0xffff, v11  }
0x13c: {  	s0 =	sshll.u32 s22, $0x10;
	[tilespmem:v8+s29+$0x270 ss:$0x1] =	vst.idx.msk $0xffff, v15  }
0x13d: {  	s1 =	sor.u32 s7, s0;
	[tilespmem:v8+s26+$0x270 ss:$0x1] =	vst.idx.msk $0xffff, v9  }
0x13e: {  	s0 =	sor.u32 $0x2, s24;
	s2 =	sadd.s32 s3, s1;
	[tilespmem:v8+s29+$0x370 ss:$0x1] =	vst.idx.msk $0xffff, v12  }
0x13f: {  	[hbm4b:s2+s4] =	stream.linear.scatter [tilespmem:s25], [sflag:s0], $0x80, $0x38;
	[tilespmem:$0xA080] =	vst v63  }
0x140: {  	s15 =	sor.u32 $0x2100, s23;
	s17 =	sadd.s32 $0x10, s2  }
0x141: {  	[hbm4b:s17+s4] =	stream.linear.scatter [tilespmem:s15], [sflag:s0], $0x80, $0x38;
	[tilespmem:$0xA080] =	vst v63  }
0x142: {  	s28 =	sor.u32 $0x2200, s23;
	s29 =	sadd.s32 $0x20, s2  }
0x143: {  	[hbm4b:s29+s4] =	stream.linear.scatter [tilespmem:s28], [sflag:s0], $0x80, $0x38;
	[tilespmem:$0xA080] =	vst v63  }
0x144: {  	s30 =	sor.u32 $0x2300, s23;
	s31 =	sadd.s32 $0x30, s2  }
0x145: {  	[hbm4b:s31+s4] =	stream.linear.scatter [tilespmem:s30], [sflag:s0], $0x80, $0x38;
	[tilespmem:$0xA080] =	vst v63  }
0x146: {  	s24 =	sadd.s32 $0x40, s2;
	s17 =	sor.u32 $0x2400, s23  }
0x147: {  	[hbm4b:s24+s4] =	stream.linear.scatter [tilespmem:s17], [sflag:s0], $0x80, $0x38;
	[tilespmem:$0xA080] =	vst v63  }
0x148: {  	s26 =	sadd.s32 $0x50, s2;
	s25 =	sor.u32 $0x2500, s23  }
0x149: {  	[hbm4b:s26+s4] =	stream.linear.scatter [tilespmem:s25], [sflag:s0], $0x80, $0x38;
	[tilespmem:$0xA080] =	vst v63  }
0x14a: {  	s28 =	sor.u32 $0x2600, s23;
	s29 =	sadd.s32 $0x60, s2  }
0x14b: {  	[hbm4b:s29+s4] =	stream.linear.scatter [tilespmem:s28], [sflag:s0], $0x80, $0x38;
	[tilespmem:$0xA080] =	vst v63  }
0x14c: {  	s30 =	sor.u32 $0x2700, s23;
	s31 =	sadd.s32 $0x70, s2  }
0x14d: {  	[hbm4b:s31+s4] =	stream.linear.scatter [tilespmem:s30], [sflag:s0], $0x80, $0x38;
	[tilespmem:$0xA080] =	vst v63  }
0x14e: {  	s17 =	sor.u32 $0x2800, s23;
	s24 =	sadd.s32 $0x80, s2  }
0x14f: {  	[hbm4b:s24+s4] =	stream.linear.scatter [tilespmem:s17], [sflag:s0], $0x80, $0x38;
	[tilespmem:$0xA080] =	vst v63  }
0x150: {  	s25 =	sor.u32 $0x2900, s23;
	s26 =	sadd.s32 $0x90, s2  }
0x151: {  	[hbm4b:s26+s4] =	stream.linear.scatter [tilespmem:s25], [sflag:s0], $0x80, $0x38;
	[tilespmem:$0xA080] =	vst v63  }
0x152: {  	s28 =	sor.u32 $0x2A00, s23;
	s29 =	sadd.s32 $0xA0, s2  }
0x153: {  	[hbm4b:s29+s4] =	stream.linear.scatter [tilespmem:s28], [sflag:s0], $0x80, $0x38;
	[tilespmem:$0xA080] =	vst v63  }
0x154: {  	s30 =	sor.u32 $0x2B00, s23;
	s31 =	sadd.s32 $0xB0, s2  }
0x155: {  	[hbm4b:s31+s4] =	stream.linear.scatter [tilespmem:s30], [sflag:s0], $0x80, $0x38;
	[tilespmem:$0xA080] =	vst v63  }
0x156: {  	s17 =	sor.u32 $0x2C00, s23;
	s24 =	sadd.s32 $0xC0, s2  }
0x157: {  	[hbm4b:s24+s4] =	stream.linear.scatter [tilespmem:s17], [sflag:s0], $0x80, $0x38;
	[tilespmem:$0xA080] =	vst v63  }
0x158: {  	s25 =	sor.u32 $0x2D00, s23;
	s26 =	sadd.s32 $0xD0, s2  }
0x159: {  	[hbm4b:s26+s4] =	stream.linear.scatter [tilespmem:s25], [sflag:s0], $0x80, $0x38;
	[tilespmem:$0xA080] =	vst v63  }
0x15a: {  	s28 =	sor.u32 $0x2E00, s23;
	s29 =	sadd.s32 $0xE0, s2  }
0x15b: {  	[hbm4b:s29+s4] =	stream.linear.scatter [tilespmem:s28], [sflag:s0], $0x80, $0x38;
	[tilespmem:$0xA080] =	vst v63  }
0x15c: {  	s2 =	sadd.s32 $0xF0, s2;
	s30 =	sor.u32 $0x2F00, s23  }
0x15d: {  	[hbm4b:s2+s4] =	stream.linear.scatter [tilespmem:s30], [sflag:s0], $0x80, $0x38;
	[tilespmem:$0xA080] =	vst v63  }
0x15e: {  	s31 =	sor.u32 $0x3000, s23;
	s2 =	sadd.s32 s1, s8  }
0x15f: {  	[hbm4b:s2+s4] =	stream.linear.scatter [tilespmem:s31], [sflag:s0], $0x80, $0x38;
	[tilespmem:$0xA080] =	vst v63  }
0x160: {  	s17 =	sor.u32 $0x3100, s23;
	s24 =	sadd.s32 $0x10, s2  }
0x161: {  	[hbm4b:s24+s4] =	stream.linear.scatter [tilespmem:s17], [sflag:s0], $0x80, $0x38;
	[tilespmem:$0xA080] =	vst v63  }
0x162: {  	s25 =	sor.u32 $0x3200, s23;
	s26 =	sadd.s32 $0x20, s2  }
0x163: {  	[hbm4b:s26+s4] =	stream.linear.scatter [tilespmem:s25], [sflag:s0], $0x80, $0x38;
	[tilespmem:$0xA080] =	vst v63  }
0x164: {  	s28 =	sor.u32 $0x3300, s23;
	s29 =	sadd.s32 $0x30, s2  }
0x165: {  	[hbm4b:s29+s4] =	stream.linear.scatter [tilespmem:s28], [sflag:s0], $0x80, $0x38;
	[tilespmem:$0xA080] =	vst v63  }
0x166: {  	s30 =	sor.u32 $0x3400, s23;
	s31 =	sadd.s32 $0x40, s2  }
0x167: {  	[hbm4b:s31+s4] =	stream.linear.scatter [tilespmem:s30], [sflag:s0], $0x80, $0x38;
	[tilespmem:$0xA080] =	vst v63  }
0x168: {  	s17 =	sor.u32 $0x3500, s23;
	s24 =	sadd.s32 $0x50, s2  }
0x169: {  	[hbm4b:s24+s4] =	stream.linear.scatter [tilespmem:s17], [sflag:s0], $0x80, $0x38;
	[tilespmem:$0xA080] =	vst v63  }
0x16a: {  	s25 =	sor.u32 $0x3600, s23;
	s26 =	sadd.s32 $0x60, s2  }
0x16b: {  	[hbm4b:s26+s4] =	stream.linear.scatter [tilespmem:s25], [sflag:s0], $0x80, $0x38;
	[tilespmem:$0xA080] =	vst v63  }
0x16c: {  	s28 =	sor.u32 $0x3700, s23;
	s29 =	sadd.s32 $0x70, s2  }
0x16d: {  	[hbm4b:s29+s4] =	stream.linear.scatter [tilespmem:s28], [sflag:s0], $0x80, $0x38;
	[tilespmem:$0xA080] =	vst v63  }
0x16e: {  	s30 =	sor.u32 $0x3800, s23;
	s31 =	sadd.s32 $0x80, s2  }
0x16f: {  	[hbm4b:s31+s4] =	stream.linear.scatter [tilespmem:s30], [sflag:s0], $0x80, $0x38;
	[tilespmem:$0xA080] =	vst v63  }
0x170: {  	s17 =	sor.u32 $0x3900, s23;
	s24 =	sadd.s32 $0x90, s2  }
0x171: {  	[hbm4b:s24+s4] =	stream.linear.scatter [tilespmem:s17], [sflag:s0], $0x80, $0x38;
	[tilespmem:$0xA080] =	vst v63  }
0x172: {  	s25 =	sor.u32 $0x3A00, s23;
	s26 =	sadd.s32 $0xA0, s2  }
0x173: {  	[hbm4b:s26+s4] =	stream.linear.scatter [tilespmem:s25], [sflag:s0], $0x80, $0x38;
	[tilespmem:$0xA080] =	vst v63  }
0x174: {  	s28 =	sor.u32 $0x3B00, s23;
	s29 =	sadd.s32 $0xB0, s2  }
0x175: {  	[hbm4b:s29+s4] =	stream.linear.scatter [tilespmem:s28], [sflag:s0], $0x80, $0x38;
	[tilespmem:$0xA080] =	vst v63  }
0x176: {  	s30 =	sor.u32 $0x3C00, s23;
	s31 =	sadd.s32 $0xC0, s2  }
0x177: {  	[hbm4b:s31+s4] =	stream.linear.scatter [tilespmem:s30], [sflag:s0], $0x80, $0x38;
	[tilespmem:$0xA080] =	vst v63  }
0x178: {  	s17 =	sor.u32 $0x3D00, s23;
	s24 =	sadd.s32 $0xD0, s2  }
0x179: {  	[hbm4b:s24+s4] =	stream.linear.scatter [tilespmem:s17], [sflag:s0], $0x80, $0x38;
	[tilespmem:$0xA080] =	vst v63  }
0x17a: {  	s25 =	sor.u32 $0x3E00, s23;
	s26 =	sadd.s32 $0xE0, s2  }
0x17b: {  	[hbm4b:s26+s4] =	stream.linear.scatter [tilespmem:s25], [sflag:s0], $0x80, $0x38;
	[tilespmem:$0xA080] =	vst v63  }
0x17c: {  	s2 =	sadd.s32 $0xF0, s2;
	s28 =	sor.u32 $0x3F00, s23  }
0x17d: {  	[hbm4b:s2+s4] =	stream.linear.scatter [tilespmem:s28], [sflag:s0], $0x80, $0x38;
	[tilespmem:$0xA080] =	vst v63  }
0x17e: {  	s29 =	sor.u32 $0x4000, s23;
	s2 =	sadd.s32 s1, s9  }
0x17f: {  	[hbm4b:s2+s4] =	stream.linear.scatter [tilespmem:s29], [sflag:s0], $0x80, $0x38;
	[tilespmem:$0xA080] =	vst v63  }
0x180: {  	s30 =	sor.u32 $0x4100, s23;
	s31 =	sadd.s32 $0x10, s2  }
0x181: {  	[hbm4b:s31+s4] =	stream.linear.scatter [tilespmem:s30], [sflag:s0], $0x80, $0x38;
	[tilespmem:$0xA080] =	vst v63  }
0x182: {  	s17 =	sor.u32 $0x4200, s23;
	s24 =	sadd.s32 $0x20, s2  }
0x183: {  	[hbm4b:s24+s4] =	stream.linear.scatter [tilespmem:s17], [sflag:s0], $0x80, $0x38;
	[tilespmem:$0xA080] =	vst v63  }
0x184: {  	s25 =	sor.u32 $0x4300, s23;
	s26 =	sadd.s32 $0x30, s2  }
0x185: {  	[hbm4b:s26+s4] =	stream.linear.scatter [tilespmem:s25], [sflag:s0], $0x80, $0x38;
	[tilespmem:$0xA080] =	vst v63  }
0x186: {  	s28 =	sor.u32 $0x4400, s23;
	s29 =	sadd.s32 $0x40, s2  }
0x187: {  	[hbm4b:s29+s4] =	stream.linear.scatter [tilespmem:s28], [sflag:s0], $0x80, $0x38;
	[tilespmem:$0xA080] =	vst v63  }
0x188: {  	s30 =	sor.u32 $0x4500, s23;
	s31 =	sadd.s32 $0x50, s2  }
0x189: {  	[hbm4b:s31+s4] =	stream.linear.scatter [tilespmem:s30], [sflag:s0], $0x80, $0x38;
	[tilespmem:$0xA080] =	vst v63  }
0x18a: {  	s17 =	sor.u32 $0x4600, s23;
	s24 =	sadd.s32 $0x60, s2  }
0x18b: {  	[hbm4b:s24+s4] =	stream.linear.scatter [tilespmem:s17], [sflag:s0], $0x80, $0x38;
	[tilespmem:$0xA080] =	vst v63  }
0x18c: {  	s25 =	sor.u32 $0x4700, s23;
	s26 =	sadd.s32 $0x70, s2  }
0x18d: {  	[hbm4b:s26+s4] =	stream.linear.scatter [tilespmem:s25], [sflag:s0], $0x80, $0x38;
	[tilespmem:$0xA080] =	vst v63  }
0x18e: {  	s28 =	sor.u32 $0x4800, s23;
	s29 =	sadd.s32 $0x80, s2  }
0x18f: {  	[hbm4b:s29+s4] =	stream.linear.scatter [tilespmem:s28], [sflag:s0], $0x80, $0x38;
	[tilespmem:$0xA080] =	vst v63  }
0x190: {  	s30 =	sor.u32 $0x4900, s23;
	s31 =	sadd.s32 $0x90, s2  }
0x191: {  	[hbm4b:s31+s4] =	stream.linear.scatter [tilespmem:s30], [sflag:s0], $0x80, $0x38;
	[tilespmem:$0xA080] =	vst v63  }
0x192: {  	s17 =	sor.u32 $0x4A00, s23;
	s24 =	sadd.s32 $0xA0, s2  }
0x193: {  	[hbm4b:s24+s4] =	stream.linear.scatter [tilespmem:s17], [sflag:s0], $0x80, $0x38;
	[tilespmem:$0xA080] =	vst v63  }
0x194: {  	s25 =	sor.u32 $0x4B00, s23;
	s26 =	sadd.s32 $0xB0, s2  }
0x195: {  	[hbm4b:s26+s4] =	stream.linear.scatter [tilespmem:s25], [sflag:s0], $0x80, $0x38;
	[tilespmem:$0xA080] =	vst v63  }
0x196: {  	s28 =	sor.u32 $0x4C00, s23;
	s29 =	sadd.s32 $0xC0, s2  }
0x197: {  	[hbm4b:s29+s4] =	stream.linear.scatter [tilespmem:s28], [sflag:s0], $0x80, $0x38;
	[tilespmem:$0xA080] =	vst v63  }
0x198: {  	s30 =	sor.u32 $0x4D00, s23;
	s31 =	sadd.s32 $0xD0, s2  }
0x199: {  	[hbm4b:s31+s4] =	stream.linear.scatter [tilespmem:s30], [sflag:s0], $0x80, $0x38;
	[tilespmem:$0xA080] =	vst v63  }
0x19a: {  	s17 =	sor.u32 $0x4E00, s23;
	s24 =	sadd.s32 $0xE0, s2  }
0x19b: {  	[hbm4b:s24+s4] =	stream.linear.scatter [tilespmem:s17], [sflag:s0], $0x80, $0x38;
	[tilespmem:$0xA080] =	vst v63  }
0x19c: {  	s2 =	sadd.s32 $0xF0, s2;
	s25 =	sor.u32 $0x4F00, s23  }
0x19d: {  	[hbm4b:s2+s4] =	stream.linear.scatter [tilespmem:s25], [sflag:s0], $0x80, $0x38;
	[tilespmem:$0xA080] =	vst v63  }
0x19e: {  	s26 =	sor.u32 $0x5000, s23;
	s2 =	sadd.s32 s1, s10  }
0x19f: {  	[hbm4b:s2+s4] =	stream.linear.scatter [tilespmem:s26], [sflag:s0], $0x80, $0x38;
	[tilespmem:$0xA080] =	vst v63  }
0x1a0: {  	s28 =	sor.u32 $0x5100, s23;
	s29 =	sadd.s32 $0x10, s2  }
0x1a1: {  	[hbm4b:s29+s4] =	stream.linear.scatter [tilespmem:s28], [sflag:s0], $0x80, $0x38;
	[tilespmem:$0xA080] =	vst v63  }
0x1a2: {  	s30 =	sor.u32 $0x5200, s23;
	s31 =	sadd.s32 $0x20, s2  }
0x1a3: {  	[hbm4b:s31+s4] =	stream.linear.scatter [tilespmem:s30], [sflag:s0], $0x80, $0x38;
	[tilespmem:$0xA080] =	vst v63  }
0x1a4: {  	s17 =	sor.u32 $0x5300, s23;
	s24 =	sadd.s32 $0x30, s2  }
0x1a5: {  	[hbm4b:s24+s4] =	stream.linear.scatter [tilespmem:s17], [sflag:s0], $0x80, $0x38;
	[tilespmem:$0xA080] =	vst v63  }
0x1a6: {  	s25 =	sor.u32 $0x5400, s23;
	s26 =	sadd.s32 $0x40, s2  }
0x1a7: {  	[hbm4b:s26+s4] =	stream.linear.scatter [tilespmem:s25], [sflag:s0], $0x80, $0x38;
	[tilespmem:$0xA080] =	vst v63  }
0x1a8: {  	s28 =	sor.u32 $0x5500, s23;
	s29 =	sadd.s32 $0x50, s2  }
0x1a9: {  	[hbm4b:s29+s4] =	stream.linear.scatter [tilespmem:s28], [sflag:s0], $0x80, $0x38;
	[tilespmem:$0xA080] =	vst v63  }
0x1aa: {  	s30 =	sor.u32 $0x5600, s23;
	s31 =	sadd.s32 $0x60, s2  }
0x1ab: {  	[hbm4b:s31+s4] =	stream.linear.scatter [tilespmem:s30], [sflag:s0], $0x80, $0x38;
	[tilespmem:$0xA080] =	vst v63  }
0x1ac: {  	s17 =	sor.u32 $0x5700, s23;
	s24 =	sadd.s32 $0x70, s2  }
0x1ad: {  	[hbm4b:s24+s4] =	stream.linear.scatter [tilespmem:s17], [sflag:s0], $0x80, $0x38;
	[tilespmem:$0xA080] =	vst v63  }
0x1ae: {  	s25 =	sor.u32 $0x5800, s23;
	s26 =	sadd.s32 $0x80, s2  }
0x1af: {  	[hbm4b:s26+s4] =	stream.linear.scatter [tilespmem:s25], [sflag:s0], $0x80, $0x38;
	[tilespmem:$0xA080] =	vst v63  }
0x1b0: {  	s28 =	sor.u32 $0x5900, s23;
	s29 =	sadd.s32 $0x90, s2  }
0x1b1: {  	[hbm4b:s29+s4] =	stream.linear.scatter [tilespmem:s28], [sflag:s0], $0x80, $0x38;
	[tilespmem:$0xA080] =	vst v63  }
0x1b2: {  	s30 =	sor.u32 $0x5A00, s23;
	s31 =	sadd.s32 $0xA0, s2  }
0x1b3: {  	[hbm4b:s31+s4] =	stream.linear.scatter [tilespmem:s30], [sflag:s0], $0x80, $0x38;
	[tilespmem:$0xA080] =	vst v63  }
0x1b4: {  	s17 =	sor.u32 $0x5B00, s23;
	s24 =	sadd.s32 $0xB0, s2  }
0x1b5: {  	[hbm4b:s24+s4] =	stream.linear.scatter [tilespmem:s17], [sflag:s0], $0x80, $0x38;
	[tilespmem:$0xA080] =	vst v63  }
0x1b6: {  	s25 =	sor.u32 $0x5C00, s23;
	s26 =	sadd.s32 $0xC0, s2  }
0x1b7: {  	[hbm4b:s26+s4] =	stream.linear.scatter [tilespmem:s25], [sflag:s0], $0x80, $0x38;
	[tilespmem:$0xA080] =	vst v63  }
0x1b8: {  	s28 =	sor.u32 $0x5D00, s23;
	s29 =	sadd.s32 $0xD0, s2  }
0x1b9: {  	[hbm4b:s29+s4] =	stream.linear.scatter [tilespmem:s28], [sflag:s0], $0x80, $0x38;
	[tilespmem:$0xA080] =	vst v63  }
0x1ba: {  	s30 =	sor.u32 $0x5E00, s23;
	s31 =	sadd.s32 $0xE0, s2  }
0x1bb: {  	[hbm4b:s31+s4] =	stream.linear.scatter [tilespmem:s30], [sflag:s0], $0x80, $0x38;
	[tilespmem:$0xA080] =	vst v63  }
0x1bc: {  	s2 =	sadd.s32 $0xF0, s2;
	s17 =	sor.u32 $0x5F00, s23  }
0x1bd: {  	[hbm4b:s2+s4] =	stream.linear.scatter [tilespmem:s17], [sflag:s0], $0x80, $0x38;
	[tilespmem:$0xA080] =	vst v63  }
0x1be: {  	s24 =	sor.u32 $0x6000, s23;
	s2 =	sadd.s32 s1, s11  }
0x1bf: {  	[hbm4b:s2+s4] =	stream.linear.scatter [tilespmem:s24], [sflag:s0], $0x80, $0x38;
	[tilespmem:$0xA080] =	vst v63  }
0x1c0: {  	s25 =	sor.u32 $0x6100, s23;
	s26 =	sadd.s32 $0x10, s2  }
0x1c1: {  	[hbm4b:s26+s4] =	stream.linear.scatter [tilespmem:s25], [sflag:s0], $0x80, $0x38;
	[tilespmem:$0xA080] =	vst v63  }
0x1c2: {  	s28 =	sor.u32 $0x6200, s23;
	s29 =	sadd.s32 $0x20, s2  }
0x1c3: {  	[hbm4b:s29+s4] =	stream.linear.scatter [tilespmem:s28], [sflag:s0], $0x80, $0x38;
	[tilespmem:$0xA080] =	vst v63  }
0x1c4: {  	s30 =	sor.u32 $0x6300, s23;
	s31 =	sadd.s32 $0x30, s2  }
0x1c5: {  	[hbm4b:s31+s4] =	stream.linear.scatter [tilespmem:s30], [sflag:s0], $0x80, $0x38;
	[tilespmem:$0xA080] =	vst v63  }
0x1c6: {  	s17 =	sor.u32 $0x6400, s23;
	s24 =	sadd.s32 $0x40, s2  }
0x1c7: {  	[hbm4b:s24+s4] =	stream.linear.scatter [tilespmem:s17], [sflag:s0], $0x80, $0x38;
	[tilespmem:$0xA080] =	vst v63  }
0x1c8: {  	s25 =	sor.u32 $0x6500, s23;
	s26 =	sadd.s32 $0x50, s2  }
0x1c9: {  	[hbm4b:s26+s4] =	stream.linear.scatter [tilespmem:s25], [sflag:s0], $0x80, $0x38;
	[tilespmem:$0xA080] =	vst v63  }
0x1ca: {  	s28 =	sor.u32 $0x6600, s23;
	s29 =	sadd.s32 $0x60, s2  }
0x1cb: {  	[hbm4b:s29+s4] =	stream.linear.scatter [tilespmem:s28], [sflag:s0], $0x80, $0x38;
	[tilespmem:$0xA080] =	vst v63  }
0x1cc: {  	s30 =	sor.u32 $0x6700, s23;
	s31 =	sadd.s32 $0x70, s2  }
0x1cd: {  	[hbm4b:s31+s4] =	stream.linear.scatter [tilespmem:s30], [sflag:s0], $0x80, $0x38;
	[tilespmem:$0xA080] =	vst v63  }
0x1ce: {  	s17 =	sor.u32 $0x6800, s23;
	s24 =	sadd.s32 $0x80, s2  }
0x1cf: {  	[hbm4b:s24+s4] =	stream.linear.scatter [tilespmem:s17], [sflag:s0], $0x80, $0x38;
	[tilespmem:$0xA080] =	vst v63  }
0x1d0: {  	s25 =	sor.u32 $0x6900, s23;
	s26 =	sadd.s32 $0x90, s2  }
0x1d1: {  	[hbm4b:s26+s4] =	stream.linear.scatter [tilespmem:s25], [sflag:s0], $0x80, $0x38;
	[tilespmem:$0xA080] =	vst v63  }
0x1d2: {  	s28 =	sor.u32 $0x6A00, s23;
	s29 =	sadd.s32 $0xA0, s2  }
0x1d3: {  	[hbm4b:s29+s4] =	stream.linear.scatter [tilespmem:s28], [sflag:s0], $0x80, $0x38;
	[tilespmem:$0xA080] =	vst v63  }
0x1d4: {  	s30 =	sor.u32 $0x6B00, s23;
	s31 =	sadd.s32 $0xB0, s2  }
0x1d5: {  	[hbm4b:s31+s4] =	stream.linear.scatter [tilespmem:s30], [sflag:s0], $0x80, $0x38;
	[tilespmem:$0xA080] =	vst v63  }
0x1d6: {  	s17 =	sor.u32 $0x6C00, s23;
	s24 =	sadd.s32 $0xC0, s2  }
0x1d7: {  	[hbm4b:s24+s4] =	stream.linear.scatter [tilespmem:s17], [sflag:s0], $0x80, $0x38;
	[tilespmem:$0xA080] =	vst v63  }
0x1d8: {  	s25 =	sor.u32 $0x6D00, s23;
	s26 =	sadd.s32 $0xD0, s2  }
0x1d9: {  	[hbm4b:s26+s4] =	stream.linear.scatter [tilespmem:s25], [sflag:s0], $0x80, $0x38;
	[tilespmem:$0xA080] =	vst v63  }
0x1da: {  	s28 =	sor.u32 $0x6E00, s23;
	s29 =	sadd.s32 $0xE0, s2  }
0x1db: {  	[hbm4b:s29+s4] =	stream.linear.scatter [tilespmem:s28], [sflag:s0], $0x80, $0x38;
	[tilespmem:$0xA080] =	vst v63  }
0x1dc: {  	s2 =	sadd.s32 $0xF0, s2;
	s30 =	sor.u32 $0x6F00, s23  }
0x1dd: {  	[hbm4b:s2+s4] =	stream.linear.scatter [tilespmem:s30], [sflag:s0], $0x80, $0x38;
	[tilespmem:$0xA080] =	vst v63  }
0x1de: {  	s31 =	sor.u32 $0x7000, s23;
	s2 =	sadd.s32 s1, s12  }
0x1df: {  	[hbm4b:s2+s4] =	stream.linear.scatter [tilespmem:s31], [sflag:s0], $0x80, $0x38;
	[tilespmem:$0xA080] =	vst v63  }
0x1e0: {  	s17 =	sor.u32 $0x7100, s23;
	s24 =	sadd.s32 $0x10, s2  }
0x1e1: {  	[hbm4b:s24+s4] =	stream.linear.scatter [tilespmem:s17], [sflag:s0], $0x80, $0x38;
	[tilespmem:$0xA080] =	vst v63  }
0x1e2: {  	s25 =	sor.u32 $0x7200, s23;
	s26 =	sadd.s32 $0x20, s2  }
0x1e3: {  	[hbm4b:s26+s4] =	stream.linear.scatter [tilespmem:s25], [sflag:s0], $0x80, $0x38;
	[tilespmem:$0xA080] =	vst v63  }
0x1e4: {  	s28 =	sor.u32 $0x7300, s23;
	s29 =	sadd.s32 $0x30, s2  }
0x1e5: {  	[hbm4b:s29+s4] =	stream.linear.scatter [tilespmem:s28], [sflag:s0], $0x80, $0x38;
	[tilespmem:$0xA080] =	vst v63  }
0x1e6: {  	s30 =	sor.u32 $0x7400, s23;
	s31 =	sadd.s32 $0x40, s2  }
0x1e7: {  	[hbm4b:s31+s4] =	stream.linear.scatter [tilespmem:s30], [sflag:s0], $0x80, $0x38;
	[tilespmem:$0xA080] =	vst v63  }
0x1e8: {  	s17 =	sor.u32 $0x7500, s23;
	s24 =	sadd.s32 $0x50, s2  }
0x1e9: {  	[hbm4b:s24+s4] =	stream.linear.scatter [tilespmem:s17], [sflag:s0], $0x80, $0x38;
	[tilespmem:$0xA080] =	vst v63  }
0x1ea: {  	s25 =	sor.u32 $0x7600, s23;
	s26 =	sadd.s32 $0x60, s2  }
0x1eb: {  	[hbm4b:s26+s4] =	stream.linear.scatter [tilespmem:s25], [sflag:s0], $0x80, $0x38;
	[tilespmem:$0xA080] =	vst v63  }
0x1ec: {  	s28 =	sor.u32 $0x7700, s23;
	s29 =	sadd.s32 $0x70, s2  }
0x1ed: {  	[hbm4b:s29+s4] =	stream.linear.scatter [tilespmem:s28], [sflag:s0], $0x80, $0x38;
	[tilespmem:$0xA080] =	vst v63  }
0x1ee: {  	s30 =	sor.u32 $0x7800, s23;
	s31 =	sadd.s32 $0x80, s2  }
0x1ef: {  	[hbm4b:s31+s4] =	stream.linear.scatter [tilespmem:s30], [sflag:s0], $0x80, $0x38;
	[tilespmem:$0xA080] =	vst v63  }
0x1f0: {  	s17 =	sor.u32 $0x7900, s23;
	s24 =	sadd.s32 $0x90, s2  }
0x1f1: {  	[hbm4b:s24+s4] =	stream.linear.scatter [tilespmem:s17], [sflag:s0], $0x80, $0x38;
	[tilespmem:$0xA080] =	vst v63  }
0x1f2: {  	s25 =	sor.u32 $0x7A00, s23;
	s26 =	sadd.s32 $0xA0, s2  }
0x1f3: {  	[hbm4b:s26+s4] =	stream.linear.scatter [tilespmem:s25], [sflag:s0], $0x80, $0x38;
	[tilespmem:$0xA080] =	vst v63  }
0x1f4: {  	s28 =	sor.u32 $0x7B00, s23;
	s29 =	sadd.s32 $0xB0, s2  }
0x1f5: {  	[hbm4b:s29+s4] =	stream.linear.scatter [tilespmem:s28], [sflag:s0], $0x80, $0x38;
	[tilespmem:$0xA080] =	vst v63  }
0x1f6: {  	s30 =	sor.u32 $0x7C00, s23;
	s31 =	sadd.s32 $0xC0, s2  }
0x1f7: {  	[hbm4b:s31+s4] =	stream.linear.scatter [tilespmem:s30], [sflag:s0], $0x80, $0x38;
	[tilespmem:$0xA080] =	vst v63  }
0x1f8: {  	s17 =	sor.u32 $0x7D00, s23;
	s24 =	sadd.s32 $0xD0, s2  }
0x1f9: {  	[hbm4b:s24+s4] =	stream.linear.scatter [tilespmem:s17], [sflag:s0], $0x80, $0x38;
	[tilespmem:$0xA080] =	vst v63  }
0x1fa: {  	s25 =	sor.u32 $0x7E00, s23;
	s26 =	sadd.s32 $0xE0, s2  }
0x1fb: {  	[hbm4b:s26+s4] =	stream.linear.scatter [tilespmem:s25], [sflag:s0], $0x80, $0x38;
	[tilespmem:$0xA080] =	vst v63  }
0x1fc: {  	s2 =	sadd.s32 $0xF0, s2;
	s28 =	sor.u32 $0x7F00, s23  }
0x1fd: {  	[hbm4b:s2+s4] =	stream.linear.scatter [tilespmem:s28], [sflag:s0], $0x80, $0x38;
	[tilespmem:$0xA080] =	vst v63  }
0x1fe: {  	s29 =	sor.u32 $0x8000, s23;
	s2 =	sadd.s32 s1, s13  }
0x1ff: {  	[hbm4b:s2+s4] =	stream.linear.scatter [tilespmem:s29], [sflag:s0], $0x80, $0x38;
	[tilespmem:$0xA080] =	vst v63  }
0x200: {  	s30 =	sor.u32 $0x8100, s23;
	s31 =	sadd.s32 $0x10, s2  }
0x201: {  	[hbm4b:s31+s4] =	stream.linear.scatter [tilespmem:s30], [sflag:s0], $0x80, $0x38;
	[tilespmem:$0xA080] =	vst v63  }
0x202: {  	s17 =	sor.u32 $0x8200, s23;
	s24 =	sadd.s32 $0x20, s2  }
0x203: {  	[hbm4b:s24+s4] =	stream.linear.scatter [tilespmem:s17], [sflag:s0], $0x80, $0x38;
	[tilespmem:$0xA080] =	vst v63  }
0x204: {  	s25 =	sor.u32 $0x8300, s23;
	s26 =	sadd.s32 $0x30, s2  }
0x205: {  	[hbm4b:s26+s4] =	stream.linear.scatter [tilespmem:s25], [sflag:s0], $0x80, $0x38;
	[tilespmem:$0xA080] =	vst v63  }
0x206: {  	s28 =	sor.u32 $0x8400, s23;
	s29 =	sadd.s32 $0x40, s2  }
0x207: {  	[hbm4b:s29+s4] =	stream.linear.scatter [tilespmem:s28], [sflag:s0], $0x80, $0x38;
	[tilespmem:$0xA080] =	vst v63  }
0x208: {  	s30 =	sor.u32 $0x8500, s23;
	s31 =	sadd.s32 $0x50, s2  }
0x209: {  	[hbm4b:s31+s4] =	stream.linear.scatter [tilespmem:s30], [sflag:s0], $0x80, $0x38;
	[tilespmem:$0xA080] =	vst v63  }
0x20a: {  	s17 =	sor.u32 $0x8600, s23;
	s24 =	sadd.s32 $0x60, s2  }
0x20b: {  	[hbm4b:s24+s4] =	stream.linear.scatter [tilespmem:s17], [sflag:s0], $0x80, $0x38;
	[tilespmem:$0xA080] =	vst v63  }
0x20c: {  	s25 =	sor.u32 $0x8700, s23;
	s26 =	sadd.s32 $0x70, s2  }
0x20d: {  	[hbm4b:s26+s4] =	stream.linear.scatter [tilespmem:s25], [sflag:s0], $0x80, $0x38;
	[tilespmem:$0xA080] =	vst v63  }
0x20e: {  	s28 =	sor.u32 $0x8800, s23;
	s29 =	sadd.s32 $0x80, s2  }
0x20f: {  	[hbm4b:s29+s4] =	stream.linear.scatter [tilespmem:s28], [sflag:s0], $0x80, $0x38;
	[tilespmem:$0xA080] =	vst v63  }
0x210: {  	s30 =	sor.u32 $0x8900, s23;
	s31 =	sadd.s32 $0x90, s2  }
0x211: {  	[hbm4b:s31+s4] =	stream.linear.scatter [tilespmem:s30], [sflag:s0], $0x80, $0x38;
	[tilespmem:$0xA080] =	vst v63  }
0x212: {  	s17 =	sor.u32 $0x8A00, s23;
	s24 =	sadd.s32 $0xA0, s2  }
0x213: {  	[hbm4b:s24+s4] =	stream.linear.scatter [tilespmem:s17], [sflag:s0], $0x80, $0x38;
	[tilespmem:$0xA080] =	vst v63  }
0x214: {  	s25 =	sor.u32 $0x8B00, s23;
	s26 =	sadd.s32 $0xB0, s2  }
0x215: {  	[hbm4b:s26+s4] =	stream.linear.scatter [tilespmem:s25], [sflag:s0], $0x80, $0x38;
	[tilespmem:$0xA080] =	vst v63  }
0x216: {  	s28 =	sor.u32 $0x8C00, s23;
	s29 =	sadd.s32 $0xC0, s2  }
0x217: {  	[hbm4b:s29+s4] =	stream.linear.scatter [tilespmem:s28], [sflag:s0], $0x80, $0x38;
	[tilespmem:$0xA080] =	vst v63  }
0x218: {  	s30 =	sor.u32 $0x8D00, s23;
	s31 =	sadd.s32 $0xD0, s2  }
0x219: {  	[hbm4b:s31+s4] =	stream.linear.scatter [tilespmem:s30], [sflag:s0], $0x80, $0x38;
	[tilespmem:$0xA080] =	vst v63  }
0x21a: {  	s17 =	sor.u32 $0x8E00, s23;
	s24 =	sadd.s32 $0xE0, s2  }
0x21b: {  	[hbm4b:s24+s4] =	stream.linear.scatter [tilespmem:s17], [sflag:s0], $0x80, $0x38;
	[tilespmem:$0xA080] =	vst v63  }
0x21c: {  	s2 =	sadd.s32 $0xF0, s2;
	s25 =	sor.u32 $0x8F00, s23  }
0x21d: {  	[hbm4b:s2+s4] =	stream.linear.scatter [tilespmem:s25], [sflag:s0], $0x80, $0x38;
	[tilespmem:$0xA080] =	vst v63  }
0x21e: {  	s1 =	sadd.s32 s1, s14;
	s26 =	sor.u32 $0x9000, s23  }
0x21f: {  	[hbm4b:s1+s4] =	stream.linear.scatter [tilespmem:s26], [sflag:s0], $0x80, $0x38;
	[tilespmem:$0xA080] =	vst v63  }
0x220: {  	s28 =	sor.u32 $0x9100, s23;
	s29 =	sadd.s32 $0x10, s1  }
0x221: {  	[hbm4b:s29+s4] =	stream.linear.scatter [tilespmem:s28], [sflag:s0], $0x80, $0x38;
	[tilespmem:$0xA080] =	vst v63  }
0x222: {  	s30 =	sor.u32 $0x9200, s23;
	s31 =	sadd.s32 $0x20, s1  }
0x223: {  	[hbm4b:s31+s4] =	stream.linear.scatter [tilespmem:s30], [sflag:s0], $0x80, $0x38;
	[tilespmem:$0xA080] =	vst v63  }
0x224: {  	s17 =	sor.u32 $0x9300, s23;
	s24 =	sadd.s32 $0x30, s1  }
0x225: {  	[hbm4b:s24+s4] =	stream.linear.scatter [tilespmem:s17], [sflag:s0], $0x80, $0x38;
	[tilespmem:$0xA080] =	vst v63  }
0x226: {  	s25 =	sor.u32 $0x9400, s23;
	s26 =	sadd.s32 $0x40, s1  }
0x227: {  	[hbm4b:s26+s4] =	stream.linear.scatter [tilespmem:s25], [sflag:s0], $0x80, $0x38;
	[tilespmem:$0xA080] =	vst v63  }
0x228: {  	s28 =	sor.u32 $0x9500, s23;
	s29 =	sadd.s32 $0x50, s1  }
0x229: {  	[hbm4b:s29+s4] =	stream.linear.scatter [tilespmem:s28], [sflag:s0], $0x80, $0x38;
	[tilespmem:$0xA080] =	vst v63  }
0x22a: {  	s30 =	sor.u32 $0x9600, s23;
	s31 =	sadd.s32 $0x60, s1  }
0x22b: {  	[hbm4b:s31+s4] =	stream.linear.scatter [tilespmem:s30], [sflag:s0], $0x80, $0x38;
	[tilespmem:$0xA080] =	vst v63  }
0x22c: {  	s17 =	sor.u32 $0x9700, s23;
	s24 =	sadd.s32 $0x70, s1  }
0x22d: {  	[hbm4b:s24+s4] =	stream.linear.scatter [tilespmem:s17], [sflag:s0], $0x80, $0x38;
	[tilespmem:$0xA080] =	vst v63  }
0x22e: {  	s25 =	sor.u32 $0x9800, s23;
	s26 =	sadd.s32 $0x80, s1  }
0x22f: {  	[hbm4b:s26+s4] =	stream.linear.scatter [tilespmem:s25], [sflag:s0], $0x80, $0x38;
	[tilespmem:$0xA080] =	vst v63  }
0x230: {  	s28 =	sor.u32 $0x9900, s23;
	s29 =	sadd.s32 $0x90, s1  }
0x231: {  	[hbm4b:s29+s4] =	stream.linear.scatter [tilespmem:s28], [sflag:s0], $0x80, $0x38;
	[tilespmem:$0xA080] =	vst v63  }
0x232: {  	s30 =	sor.u32 $0x9A00, s23;
	s31 =	sadd.s32 $0xA0, s1  }
0x233: {  	[hbm4b:s31+s4] =	stream.linear.scatter [tilespmem:s30], [sflag:s0], $0x80, $0x38;
	[tilespmem:$0xA080] =	vst v63  }
0x234: {  	s15 =	sor.u32 $0x9B00, s23;
	s17 =	sadd.s32 $0xB0, s1  }
0x235: {  	[hbm4b:s17+s4] =	stream.linear.scatter [tilespmem:s15], [sflag:s0], $0x80, $0x38;
	[tilespmem:$0xA080] =	vst v63  }
0x236: {  	s22 =	sadd.s32 $0x1, s22;
	s24 =	sor.u32 $0x9C00, s23;
	s25 =	sadd.s32 $0xC0, s1  }
0x237: {  	[hbm4b:s25+s4] =	stream.linear.scatter [tilespmem:s24], [sflag:s0], $0x80, $0x38;
	[tilespmem:$0xA080] =	vst v63  }
0x238: {  	p1 =	sne.s32 s22, $0x19;
	s26 =	sor.u32 $0x9D00, s23;
	s28 =	sadd.s32 $0xD0, s1  }
0x239: {  	[hbm4b:s28+s4] =	stream.linear.scatter [tilespmem:s26], [sflag:s0], $0x80, $0x38;
	[tilespmem:$0xA080] =	vst v63  }
.Ltmp5:
0x23a: {  	_ = 	snop;
	(pc) =	sbr.rel @p1 .LBB2_4-.Ltmp5, $4  }
0x23b: {  	s29 =	sor.u32 $0x9E00, s23;
	s30 =	sadd.s32 $0xE0, s1  }
0x23c: {  	[hbm4b:s30+s4] =	stream.linear.scatter [tilespmem:s29], [sflag:s0], $0x80, $0x38;
	[tilespmem:$0xA080] =	vst v63  }
0x23d: {  	p0 =	por !p0, !p0;
	s31 =	sor.u32 $0x9F00, s23;
	s1 =	sadd.s32 $0xF0, s1  }
0x23e: {  	[hbm4b:s1+s4] =	stream.linear.scatter [tilespmem:s31], [sflag:s0], $0x80, $0x38;
	[tilespmem:$0xA080] =	vst v63  }
0x23f: {  	_ =	swait.ge [sflag:s19], $0x4000  }
0x240: {  	[sflag:s19] =	ssyncset.done $0x0  }
0x241: {  	[sflag:s19] =	ssyncadd.s32 $0xFFFFC000  }
0x242: {  	_ =	swait.ge [sflag:s20], $0x4000  }
0x243: {  	s21 =	sadd.s32 $0x1, s21;
	s0 =	rddreg [dreg:$0x4]  }
0x244: {  	p0 =	sne.s32 s21, s0  }
.Ltmp6:
0x245: {  	_ = 	snop;
	(pc) =	sbr.rel @p0 .LBB2_1-.Ltmp6, $3  }
0x246: {  	_ =	sdelay $0x1  }
0x247: {  	[sflag:s20] =	ssyncset.done $0x0  }
0x248: {  	[sflag:s20] =	ssyncadd.s32 $0xFFFFC000  }
0x249: {  	_ =	sfence.sel $0x180000  }
0x24a: {  	[bflag:$0x0] =	sbarrier.arrive $0xFFFF  }
0x24b: {  	_ =	strace $0x90000047  }
0x24c: {  	s0 =	stileid.u32;
	[bflag:$0x2] =	sbarrier.arrive $0xFFFF  }
0x24d: {  	p0 =	sne.s32 s0, $0x0;
	s0 =	rddreg [dreg:$0x3]  }
0x24e: {  	s0 =	sadd.s32 @!p0 $0x100000, s0  }
0x24f: {  	[sflag:s0] =	ssyncadd.tile.s32 @!p0 $0x1;
	_ =	shalt  }
.Lfunc_end2:
_tile_overlayer_lowered:
.L_overlay_start_2:
0x250: {  	(tag) =	ssettag $0x2  }
0x251: {  	s0 =	rddreg [dreg:$0x0];
	s2 =	stileid.u32  }
0x252: {  	s1 =	rddreg [dreg:$0x1];
	p0 =	sne.s32 s2, $0x0  }
0x253: {  	s3 =	rddreg [dreg:$0x2];
	[bflag:$0x3] =	sbarrier.arrive $0xFFFF;
	s2 =	simm.s32 @!p0 $0x1C04  }
0x254: {  	[timem:s3], [sflag:s2] =	dma.local @!p0 [hbm:s0], s1  }
0x255: {  	s0 =	simm.s32 @!p0 $0x4  }
0x256: {  	_ =	swait.ge @!p0 [sflag:s0], s1  }
0x257: {  	s1 =	ssub.s32 @!p0 $0x0, s1;
	[sflag:s0] =	ssyncset.done @!p0 $0x0  }
0x258: {  	[sflag:s0] =	ssyncadd.s32 @!p0 s1  }
0x259: {  	[bflag:$0x3] =	sbarrier.arrive $0xFFFF  }
0x25a: {  	_ =	shalt  }

</sc_bundles>
